<compile_context>
chip_gen: v7x
topology: tpu7x:2x2x1
jax: 0.10.2.dev20260603
libtpu: 0.0.44.dev20260713+nightly
codegen_flags: <defaults>
</compile_context>

<pallas_src>
import functools

import jax
import jax.numpy as jnp
from jax import lax
from jax.experimental import pallas as pl
from jax.experimental.pallas import tpu as pltpu
from jax.experimental.pallas import tpu_sc as plsc

NC, NS = 2, 16
NW = NC * NS
LANES = 16
CHUNK = 16


@functools.cache
def _build(nb, seq, vocab, d):
    ppw = seq // NW
    ncp = ppw // CHUNK
    vecs = d // LANES
    assert vecs & (vecs - 1) == 0
    assert nb == 4 and ncp >= 2 and ncp % 2 == 0
    shift = vecs.bit_length() - 1
    mesh = plsc.VectorSubcoreMesh(core_axis_name="c", subcore_axis_name="s")

    @functools.partial(
        pl.kernel,
        mesh=mesh,
        out_type=jax.ShapeDtypeStruct((nb, seq, d), jnp.float32),
        scratch_types=[
            pltpu.VMEM((nb, ppw), jnp.int32),
            *[pltpu.VMEM((CHUNK, d), jnp.float32) for _ in range(nb + 2)],
            *[pltpu.SemaphoreType.DMA for _ in range(2 * nb + 3)],
        ],
    )
    def emb(x_hbm, table_hbm, pe_hbm, out_hbm, idx_v, *bufs_sems):
        gbuf = list(bufs_sems[:nb])
        pbuf = list(bufs_sems[nb:nb + 2])
        sems = bufs_sems[nb + 2:]
        sg = list(sems[:nb])
        ss = list(sems[nb:2 * nb])
        sp = list(sems[2 * nb:2 * nb + 2])
        si = sems[2 * nb + 2]
        wid = lax.axis_index("s") * NC + lax.axis_index("c")
        pbase = wid * ppw

        def load_pe(c, slot):
            pltpu.async_copy(pe_hbm.at[pl.ds(pbase + c * CHUNK, CHUNK)],
                             pbuf[slot], sp[slot])

        def wait_pe(slot):
            pltpu.make_async_copy(pe_hbm.at[pl.ds(0, CHUNK)],
                                  pbuf[slot], sp[slot]).wait()

        def start(c, b):
            pltpu.async_copy(
                table_hbm.at[idx_v.at[b, pl.ds(c * CHUNK, CHUNK)]],
                gbuf[b], sg[b])

        def wait_gather(b):
            pltpu.make_async_copy(
                table_hbm.at[idx_v.at[b, pl.ds(0, CHUNK)]],
                gbuf[b], sg[b]).wait()

        def wait_scatter(b):
            pltpu.make_async_copy(gbuf[b], out_hbm.at[0, pl.ds(0, CHUNK)],
                                  ss[b]).wait()

        def finish(c, b, pslot):
            wait_gather(b)
            if b == 0:
                wait_pe(pslot)
            g, p = gbuf[b], pbuf[pslot]

            @plsc.parallel_loop(0, CHUNK * vecs, unroll=8)
            def vec(i):
                r = jax.lax.shift_right_logical(i, shift)
                col = (i & (vecs - 1)) * LANES
                plsc.addupdate(g.at[r, pl.ds(col, LANES)],
                               p[r, pl.ds(col, LANES)])

            pltpu.async_copy(g, out_hbm.at[b, pl.ds(pbase + c * CHUNK, CHUNK)],
                             ss[b])

        idx_copy = pltpu.async_copy(
            x_hbm.at[:, pl.ds(pbase, ppw)], idx_v, si)
        load_pe(0, 0)
        load_pe(1, 1)
        idx_copy.wait()

        def body(t, _):
            c0 = 2 * t
            c1 = c0 + 1
            cm = c0 - 1
            nonlast = t < ncp // 2 - 1

            @pl.when(t > 0)
            def _():
                wait_scatter(0)
            start(c0, 0)

            @pl.when(t > 0)
            def _():
                finish(cm, 3, 1)
                load_pe(c1, 1)
                wait_scatter(1)
            start(c0, 1)
            finish(c0, 0, 0)

            @pl.when(t > 0)
            def _():
                wait_scatter(2)
            start(c0, 2)
            finish(c0, 1, 0)

            @pl.when(t > 0)
            def _():
                wait_scatter(3)
            start(c0, 3)
            finish(c0, 2, 0)

            wait_scatter(0)
            start(c1, 0)
            finish(c0, 3, 0)

            @pl.when(nonlast)
            def _():
                load_pe(c0 + 2, 0)

            wait_scatter(1)
            start(c1, 1)
            finish(c1, 0, 1)

            wait_scatter(2)
            start(c1, 2)
            finish(c1, 1, 1)

            wait_scatter(3)
            start(c1, 3)
            finish(c1, 2, 1)
            return 0

        lax.fori_loop(0, ncp // 2, body, 0, unroll=False)

        clast = ncp - 1
        for b in range(3, nb):
            finish(clast, b, 1)
        for b in range(nb):
            wait_scatter(b)

    return emb


def kernel(x, table, pe):
    b, s = x.shape
    vocab, d = table.shape
    return _build(b, s, vocab, d)(x.astype(jnp.int32), table, pe)

# --- scband reference (transcript-rebuilt; emitter-appended) ---
"""Pipeline reference for scband-transformer-embedding-70093866271068 (READ-ONLY COPY).

The authoritative reference and input builder live on the scoring server;
editing this copy changes nothing except your own understanding.
"""

import jax, jax.numpy as jnp
import numpy as np

VOCAB = 100000
D_MODEL = 1024
BATCH = 4
SEQ = 4096


def _sinusoidal_pe(max_len, d_model):
    pos = np.arange(max_len)[:, None].astype(np.float32)
    i = np.arange(0, d_model, 2).astype(np.float32)
    div = np.exp(-np.log(10000.0) * i / d_model)
    pe = np.zeros((max_len, d_model), dtype=np.float32)
    pe[:, 0::2] = np.sin(pos * div)
    pe[:, 1::2] = np.cos(pos * div)
    return jnp.asarray(pe)


def setup_inputs(seed: int = 0) -> dict:
    key = jax.random.key(seed)
    k1, k2 = jax.random.split(key)
    x = jax.random.randint(k1, (BATCH, SEQ), 0, VOCAB, dtype=jnp.int64 if jax.config.jax_enable_x64 else jnp.int32)
    table = jax.random.normal(k2, (VOCAB, D_MODEL), dtype=jnp.float32) * 0.02
    pe = _sinusoidal_pe(SEQ, D_MODEL)
    return {"x": x, "table": table, "pe": pe}


def reference(x, table, pe):
    # token_embedding: gather rows from the embedding table
    out = jnp.take(table, x, axis=0)           # [B, S, D]
    # positional_encoding: additive sinusoidal encoding
    out = out + pe[: x.shape[1]][None, :, :]   # broadcast over batch
    # dropout with p=0 is the identity
    return out

if __name__ == "__main__":
    import jax
    _d = setup_inputs()
    print(jax.jit(kernel)(*tuple(_d.values())))

</pallas_src>

<mosaic_0001>
#map = affine_map<(d0, d1) -> (0, 0)>
#map1 = affine_map<(d0, d1) -> (0, 0, 0)>
module attributes {stable_mosaic.version = 14 : i64} {
  func.func @emb(%arg0: i32, %arg1: i32, %arg2: memref<4x4096xi32, #tpu.memory_space<hbm>>, %arg3: memref<100000x1024xf32, #tpu.memory_space<hbm>>, %arg4: memref<4096x1024xf32, #tpu.memory_space<hbm>>, %arg5: memref<4x4096x1024xf32, #tpu.memory_space<hbm>>, %arg6: memref<4x128xi32, #tpu.memory_space<vmem>>, %arg7: memref<16x1024xf32, #tpu.memory_space<vmem>>, %arg8: memref<16x1024xf32, #tpu.memory_space<vmem>>, %arg9: memref<16x1024xf32, #tpu.memory_space<vmem>>, %arg10: memref<16x1024xf32, #tpu.memory_space<vmem>>, %arg11: memref<16x1024xf32, #tpu.memory_space<vmem>>, %arg12: memref<16x1024xf32, #tpu.memory_space<vmem>>, %arg13: memref<!tpu.dma_semaphore, #tpu.memory_space<semaphore_mem>>, %arg14: memref<!tpu.dma_semaphore, #tpu.memory_space<semaphore_mem>>, %arg15: memref<!tpu.dma_semaphore, #tpu.memory_space<semaphore_mem>>, %arg16: memref<!tpu.dma_semaphore, #tpu.memory_space<semaphore_mem>>, %arg17: memref<!tpu.dma_semaphore, #tpu.memory_space<semaphore_mem>>, %arg18: memref<!tpu.dma_semaphore, #tpu.memory_space<semaphore_mem>>, %arg19: memref<!tpu.dma_semaphore, #tpu.memory_space<semaphore_mem>>, %arg20: memref<!tpu.dma_semaphore, #tpu.memory_space<semaphore_mem>>, %arg21: memref<!tpu.dma_semaphore, #tpu.memory_space<semaphore_mem>>, %arg22: memref<!tpu.dma_semaphore, #tpu.memory_space<semaphore_mem>>, %arg23: memref<!tpu.dma_semaphore, #tpu.memory_space<semaphore_mem>>) attributes {dimension_semantics = [#tpu.dimension_semantics<core_parallel>, #tpu.dimension_semantics<subcore_parallel>], iteration_bounds = array<i64: 2, 16>, scalar_prefetch = 0 : i64, scratch_operands = 18 : i64, tpu.core_type = #tpu.core_type<sc_vector_subcore>, window_params = [{transform_indices = #map}, {transform_indices = #map}, {transform_indices = #map}, {transform_indices = #map1}]} {
    %mul3A = arith.constant 2 : i32
    %mul3A_0 = arith.muli %arg1, %mul3A : i32
    %add3A = arith.addi %mul3A_0, %arg0 : i32
    %mul3A_1 = arith.constant 128 : i32
    %mul3A_2 = arith.muli %add3A, %mul3A_1 : i32
    %dma_start3A = arith.constant 0 : i32
    %dma_start3A_3 = tpu.memref_slice %arg2[%dma_start3A, %mul3A_2] : memref<4x4096xi32, #tpu.memory_space<hbm>> -> memref<4x128xi32, #tpu.memory_space<hbm>>
    %dma_start3A_4 = arith.constant 0 : i32
    %dma_start3A_5 = tpu.memref_slice %arg2[%dma_start3A_4, %mul3A_2] : memref<4x4096xi32, #tpu.memory_space<hbm>> -> memref<4x128xi32, #tpu.memory_space<hbm>>
    tpu.enqueue_dma source(%dma_start3A_5 : memref<4x128xi32, #tpu.memory_space<hbm>>) target(%arg6 : memref<4x128xi32, #tpu.memory_space<vmem>>) target_semaphore(%arg23 : memref<!tpu.dma_semaphore, #tpu.memory_space<semaphore_mem>>)
    %add3A_6 = arith.constant 0 : i32
    %add3A_7 = arith.addi %mul3A_2, %add3A_6 : i32
    %dma_start3A_8 = arith.constant 0 : i32
    %dma_start3A_9 = tpu.memref_slice %arg4[%add3A_7, %dma_start3A_8] : memref<4096x1024xf32, #tpu.memory_space<hbm>> -> memref<16x1024xf32, #tpu.memory_space<hbm>>
    %dma_start3A_10 = arith.constant 0 : i32
    %dma_start3A_11 = tpu.memref_slice %arg4[%add3A_7, %dma_start3A_10] : memref<4096x1024xf32, #tpu.memory_space<hbm>> -> memref<16x1024xf32, #tpu.memory_space<hbm>>
    tpu.enqueue_dma source(%dma_start3A_11 : memref<16x1024xf32, #tpu.memory_space<hbm>>) target(%arg11 : memref<16x1024xf32, #tpu.memory_space<vmem>>) target_semaphore(%arg21 : memref<!tpu.dma_semaphore, #tpu.memory_space<semaphore_mem>>)
    %add3A_12 = arith.constant 16 : i32
    %add3A_13 = arith.addi %mul3A_2, %add3A_12 : i32
    %dma_start3A_14 = arith.constant 0 : i32
    %dma_start3A_15 = tpu.memref_slice %arg4[%add3A_13, %dma_start3A_14] : memref<4096x1024xf32, #tpu.memory_space<hbm>> -> memref<16x1024xf32, #tpu.memory_space<hbm>>
    %dma_start3A_16 = arith.constant 0 : i32
    %dma_start3A_17 = tpu.memref_slice %arg4[%add3A_13, %dma_start3A_16] : memref<4096x1024xf32, #tpu.memory_space<hbm>> -> memref<16x1024xf32, #tpu.memory_space<hbm>>
    tpu.enqueue_dma source(%dma_start3A_17 : memref<16x1024xf32, #tpu.memory_space<hbm>>) target(%arg12 : memref<16x1024xf32, #tpu.memory_space<vmem>>) target_semaphore(%arg22 : memref<!tpu.dma_semaphore, #tpu.memory_space<semaphore_mem>>)
    %dma_wait3A = arith.constant 0 : i32
    %dma_wait3A_18 = tpu.memref_slice %arg2[%dma_wait3A, %mul3A_2] : memref<4x4096xi32, #tpu.memory_space<hbm>> -> memref<4x128xi32, #tpu.memory_space<hbm>>
    %dma_wait3A_19 = arith.constant 0 : i32
    %dma_wait3A_20 = tpu.memref_slice %arg2[%dma_wait3A_19, %mul3A_2] : memref<4x4096xi32, #tpu.memory_space<hbm>> -> memref<4x128xi32, #tpu.memory_space<hbm>>
    tpu.wait_dma2 semaphore(%arg23 : memref<!tpu.dma_semaphore, #tpu.memory_space<semaphore_mem>>) src(%dma_wait3A_20 : memref<4x128xi32, #tpu.memory_space<hbm>>) dst(%arg6 : memref<4x128xi32, #tpu.memory_space<vmem>>)
    %scan3A = arith.constant 0 : i32
    %scan3A_21 = arith.constant 0 : i32
    %scan3A_22 = arith.constant 4 : i32
    %scan3A_23 = arith.addi %scan3A_21, %scan3A_22 : i32
    %scan3A_24 = arith.constant 1 : i32
    %scan3A_25 = scf.for %scan3A_81 = %scan3A_21 to %scan3A_23 step %scan3A_24 iter_args(%scan3A_82 = %scan3A) -> (i32)  : i32 {
      %mul3A_83 = arith.constant 2 : i32
      %mul3A_84 = arith.muli %mul3A_83, %scan3A_81 : i32
      %add3A_85 = arith.constant 1 : i32
      %add3A_86 = arith.addi %mul3A_84, %add3A_85 : i32
      %sub3A = arith.constant 1 : i32
      %sub3A_87 = arith.subi %mul3A_84, %sub3A : i32
      %lt3A = arith.constant 3 : i32
      %lt3A_88 = arith.cmpi slt, %scan3A_81, %lt3A : i32
      %gt3A = arith.constant 0 : i32
      %gt3A_89 = arith.cmpi sgt, %scan3A_81, %gt3A : i32
      %convert_element_type3A = arith.extui %gt3A_89 : i1 to i32
      %cond3A = arith.constant 0 : i32
      %cond3A_90 = arith.cmpi ne, %convert_element_type3A, %cond3A : i32
      scf.if %cond3A_90 {
        %dma_wait3A_362 = arith.constant 0 : i32
        %dma_wait3A_363 = arith.constant 0 : i32
        %dma_wait3A_364 = arith.constant 0 : i32
        %dma_wait3A_365 = tpu.memref_slice %arg5[%dma_wait3A_362, %dma_wait3A_363, %dma_wait3A_364] : memref<4x4096x1024xf32, #tpu.memory_space<hbm>> -> memref<1x16x1024xf32, #tpu.memory_space<hbm>>
        %dma_wait3A_366 = tpu.memref_squeeze %dma_wait3A_365 : memref<1x16x1024xf32, #tpu.memory_space<hbm>> -> memref<16x1024xf32, #tpu.memory_space<hbm>>
        %dma_wait3A_367 = arith.constant 0 : i32
        %dma_wait3A_368 = arith.constant 0 : i32
        %dma_wait3A_369 = tpu.memref_slice %arg5[%dma_wait3A_362, %dma_wait3A_367, %dma_wait3A_368] : memref<4x4096x1024xf32, #tpu.memory_space<hbm>> -> memref<1x16x1024xf32, #tpu.memory_space<hbm>>
        %dma_wait3A_370 = tpu.memref_squeeze %dma_wait3A_369 : memref<1x16x1024xf32, #tpu.memory_space<hbm>> -> memref<16x1024xf32, #tpu.memory_space<hbm>>
        tpu.wait_dma2 semaphore(%arg17 : memref<!tpu.dma_semaphore, #tpu.memory_space<semaphore_mem>>) src(%arg7 : memref<16x1024xf32, #tpu.memory_space<vmem>>) dst(%dma_wait3A_370 : memref<16x1024xf32, #tpu.memory_space<hbm>>)
      } else {
      }
      %mul3A_91 = arith.constant 16 : i32
      %mul3A_92 = arith.muli %mul3A_84, %mul3A_91 : i32
      %dma_start3A_93 = arith.constant 0 : i32
      %dma_start3A_94 = tpu.memref_slice %arg6[%dma_start3A_93, %mul3A_92] : memref<4x128xi32, #tpu.memory_space<vmem>> -> memref<1x16xi32, #tpu.memory_space<vmem>>
      %dma_start3A_95 = tpu.memref_squeeze %dma_start3A_94 : memref<1x16xi32, #tpu.memory_space<vmem>> -> memref<16xi32, #tpu.memory_space<vmem>>
      %dma_start3A_96 = arith.constant 0 : i32
      %dma_start3A_97 = arith.constant 0 : i32
      %dma_start3A_98 = tpu.memref_slice %arg3[%dma_start3A_96, %dma_start3A_97] : memref<100000x1024xf32, #tpu.memory_space<hbm>> -> memref<100000x1024xf32, #tpu.memory_space<hbm>>
      tpu.enqueue_indirect_dma source(%dma_start3A_98 : memref<100000x1024xf32, #tpu.memory_space<hbm>>) target(%arg7 : memref<16x1024xf32, #tpu.memory_space<vmem>>) offsets(%dma_start3A_95 : memref<16xi32, #tpu.memory_space<vmem>>) semaphore(%arg13 : memref<!tpu.dma_semaphore, #tpu.memory_space<semaphore_mem>>)
      %gt3A_99 = arith.constant 0 : i32
      %gt3A_100 = arith.cmpi sgt, %scan3A_81, %gt3A_99 : i32
      %convert_element_type3A_101 = arith.extui %gt3A_100 : i1 to i32
      %cond3A_102 = arith.constant 0 : i32
      %cond3A_103 = arith.cmpi ne, %convert_element_type3A_101, %cond3A_102 : i32
      scf.if %cond3A_103 {
        %dma_wait3A_362 = arith.constant 3 : i32
        %dma_wait3A_363 = arith.constant 0 : i32
        %dma_wait3A_364 = tpu.memref_slice %arg6[%dma_wait3A_362, %dma_wait3A_363] : memref<4x128xi32, #tpu.memory_space<vmem>> -> memref<1x16xi32, #tpu.memory_space<vmem>>
        %dma_wait3A_365 = tpu.memref_squeeze %dma_wait3A_364 : memref<1x16xi32, #tpu.memory_space<vmem>> -> memref<16xi32, #tpu.memory_space<vmem>>
        %dma_wait3A_366 = arith.constant 0 : i32
        %dma_wait3A_367 = arith.constant 0 : i32
        %dma_wait3A_368 = tpu.memref_slice %arg3[%dma_wait3A_366, %dma_wait3A_367] : memref<100000x1024xf32, #tpu.memory_space<hbm>> -> memref<100000x1024xf32, #tpu.memory_space<hbm>>
        tpu.wait_indirect_dma semaphore(%arg16 : memref<!tpu.dma_semaphore, #tpu.memory_space<semaphore_mem>>) src(%dma_wait3A_368 : memref<100000x1024xf32, #tpu.memory_space<hbm>>) dst(%arg10 : memref<16x1024xf32, #tpu.memory_space<vmem>>)
        %parallel_loop3A_369 = arith.constant 0 : i32
        %parallel_loop3A_370 = arith.constant 1024 : i32
        %parallel_loop3A_371 = arith.constant 1 : i32
        scf.for %parallel_loop3A_398 = %parallel_loop3A_369 to %parallel_loop3A_370 step %parallel_loop3A_371  : i32 {
          %parallel_loop3A_399 = arith.constant 6 : i32
          %parallel_loop3A_400 = arith.shrui %parallel_loop3A_398, %parallel_loop3A_399 : i32
          %parallel_loop3A_401 = arith.constant 63 : i32
          %parallel_loop3A_402 = arith.andi %parallel_loop3A_398, %parallel_loop3A_401 : i32
          %parallel_loop3A_403 = arith.constant 16 : i32
          %parallel_loop3A_404 = arith.muli %parallel_loop3A_402, %parallel_loop3A_403 : i32
          %parallel_loop3A_405 = arith.index_cast %parallel_loop3A_400 : i32 to index
          %parallel_loop3A_406 = arith.index_cast %parallel_loop3A_404 : i32 to index
          %parallel_loop3A_407 = tpu.vector_load %arg12[%parallel_loop3A_405, %parallel_loop3A_406] {strides = array<i32>} : memref<16x1024xf32, #tpu.memory_space<vmem>>, vector<1x16xf32>,
          %parallel_loop3A_408 = vector.shape_cast %parallel_loop3A_407 : vector<1x16xf32> to vector<16xf32>
          %parallel_loop3A_409 = arith.index_cast %parallel_loop3A_400 : i32 to index
          %parallel_loop3A_410 = arith.index_cast %parallel_loop3A_404 : i32 to index
          %parallel_loop3A_411 = tpu.vector_load %arg10[%parallel_loop3A_409, %parallel_loop3A_410] {strides = array<i32>} : memref<16x1024xf32, #tpu.memory_space<vmem>>, vector<1x16xf32>,
          %parallel_loop3A_412 = vector.shape_cast %parallel_loop3A_411 : vector<1x16xf32> to vector<16xf32>
          %parallel_loop3A_413 = vector.shape_cast %parallel_loop3A_408 : vector<16xf32> to vector<1x16xf32>
          tpu.vector_store %arg10[%parallel_loop3A_409, %parallel_loop3A_410], %parallel_loop3A_413 {add = true, strides = array<i32>} : memref<16x1024xf32, #tpu.memory_space<vmem>>, vector<1x16xf32>,
        } {sc.loop_unroll_factor = 8 : i64, sc.parallel_access}
        %mul3A_372 = arith.constant 16 : i32
        %mul3A_373 = arith.muli %sub3A_87, %mul3A_372 : i32
        %add3A_374 = arith.addi %mul3A_2, %mul3A_373 : i32
        %dma_start3A_375 = arith.constant 3 : i32
        %dma_start3A_376 = arith.constant 0 : i32
        %dma_start3A_377 = tpu.memref_slice %arg5[%dma_start3A_375, %add3A_374, %dma_start3A_376] : memref<4x4096x1024xf32, #tpu.memory_space<hbm>> -> memref<1x16x1024xf32, #tpu.memory_space<hbm>>
        %dma_start3A_378 = tpu.memref_squeeze %dma_start3A_377 : memref<1x16x1024xf32, #tpu.memory_space<hbm>> -> memref<16x1024xf32, #tpu.memory_space<hbm>>
        %dma_start3A_379 = arith.constant 0 : i32
        %dma_start3A_380 = tpu.memref_slice %arg5[%dma_start3A_375, %add3A_374, %dma_start3A_379] : memref<4x4096x1024xf32, #tpu.memory_space<hbm>> -> memref<1x16x1024xf32, #tpu.memory_space<hbm>>
        %dma_start3A_381 = tpu.memref_squeeze %dma_start3A_380 : memref<1x16x1024xf32, #tpu.memory_space<hbm>> -> memref<16x1024xf32, #tpu.memory_space<hbm>>
        tpu.enqueue_dma source(%arg10 : memref<16x1024xf32, #tpu.memory_space<vmem>>) target(%dma_start3A_381 : memref<16x1024xf32, #tpu.memory_space<hbm>>) target_semaphore(%arg20 : memref<!tpu.dma_semaphore, #tpu.memory_space<semaphore_mem>>)
        %mul3A_382 = arith.constant 16 : i32
        %mul3A_383 = arith.muli %add3A_86, %mul3A_382 : i32
        %add3A_384 = arith.addi %mul3A_2, %mul3A_383 : i32
        %dma_start3A_385 = arith.constant 0 : i32
        %dma_start3A_386 = tpu.memref_slice %arg4[%add3A_384, %dma_start3A_385] : memref<4096x1024xf32, #tpu.memory_space<hbm>> -> memref<16x1024xf32, #tpu.memory_space<hbm>>
        %dma_start3A_387 = arith.constant 0 : i32
        %dma_start3A_388 = tpu.memref_slice %arg4[%add3A_384, %dma_start3A_387] : memref<4096x1024xf32, #tpu.memory_space<hbm>> -> memref<16x1024xf32, #tpu.memory_space<hbm>>
        tpu.enqueue_dma source(%dma_start3A_388 : memref<16x1024xf32, #tpu.memory_space<hbm>>) target(%arg12 : memref<16x1024xf32, #tpu.memory_space<vmem>>) target_semaphore(%arg22 : memref<!tpu.dma_semaphore, #tpu.memory_space<semaphore_mem>>)
        %dma_wait3A_389 = arith.constant 0 : i32
        %dma_wait3A_390 = arith.constant 0 : i32
        %dma_wait3A_391 = arith.constant 0 : i32
        %dma_wait3A_392 = tpu.memref_slice %arg5[%dma_wait3A_389, %dma_wait3A_390, %dma_wait3A_391] : memref<4x4096x1024xf32, #tpu.memory_space<hbm>> -> memref<1x16x1024xf32, #tpu.memory_space<hbm>>
        %dma_wait3A_393 = tpu.memref_squeeze %dma_wait3A_392 : memref<1x16x1024xf32, #tpu.memory_space<hbm>> -> memref<16x1024xf32, #tpu.memory_space<hbm>>
        %dma_wait3A_394 = arith.constant 0 : i32
        %dma_wait3A_395 = arith.constant 0 : i32
        %dma_wait3A_396 = tpu.memref_slice %arg5[%dma_wait3A_389, %dma_wait3A_394, %dma_wait3A_395] : memref<4x4096x1024xf32, #tpu.memory_space<hbm>> -> memref<1x16x1024xf32, #tpu.memory_space<hbm>>
        %dma_wait3A_397 = tpu.memref_squeeze %dma_wait3A_396 : memref<1x16x1024xf32, #tpu.memory_space<hbm>> -> memref<16x1024xf32, #tpu.memory_space<hbm>>
        tpu.wait_dma2 semaphore(%arg18 : memref<!tpu.dma_semaphore, #tpu.memory_space<semaphore_mem>>) src(%arg8 : memref<16x1024xf32, #tpu.memory_space<vmem>>) dst(%dma_wait3A_397 : memref<16x1024xf32, #tpu.memory_space<hbm>>)
      } else {
      }
      %mul3A_104 = arith.constant 16 : i32
      %mul3A_105 = arith.muli %mul3A_84, %mul3A_104 : i32
      %dma_start3A_106 = arith.constant 1 : i32
      %dma_start3A_107 = tpu.memref_slice %arg6[%dma_start3A_106, %mul3A_105] : memref<4x128xi32, #tpu.memory_space<vmem>> -> memref<1x16xi32, #tpu.memory_space<vmem>>
      %dma_start3A_108 = tpu.memref_squeeze %dma_start3A_107 : memref<1x16xi32, #tpu.memory_space<vmem>> -> memref<16xi32, #tpu.memory_space<vmem>>
      %dma_start3A_109 = arith.constant 0 : i32
      %dma_start3A_110 = arith.constant 0 : i32
      %dma_start3A_111 = tpu.memref_slice %arg3[%dma_start3A_109, %dma_start3A_110] : memref<100000x1024xf32, #tpu.memory_space<hbm>> -> memref<100000x1024xf32, #tpu.memory_space<hbm>>
      tpu.enqueue_indirect_dma source(%dma_start3A_111 : memref<100000x1024xf32, #tpu.memory_space<hbm>>) target(%arg8 : memref<16x1024xf32, #tpu.memory_space<vmem>>) offsets(%dma_start3A_108 : memref<16xi32, #tpu.memory_space<vmem>>) semaphore(%arg14 : memref<!tpu.dma_semaphore, #tpu.memory_space<semaphore_mem>>)
      %dma_wait3A_112 = arith.constant 0 : i32
      %dma_wait3A_113 = arith.constant 0 : i32
      %dma_wait3A_114 = tpu.memref_slice %arg6[%dma_wait3A_112, %dma_wait3A_113] : memref<4x128xi32, #tpu.memory_space<vmem>> -> memref<1x16xi32, #tpu.memory_space<vmem>>
      %dma_wait3A_115 = tpu.memref_squeeze %dma_wait3A_114 : memref<1x16xi32, #tpu.memory_space<vmem>> -> memref<16xi32, #tpu.memory_space<vmem>>
      %dma_wait3A_116 = arith.constant 0 : i32
      %dma_wait3A_117 = arith.constant 0 : i32
      %dma_wait3A_118 = tpu.memref_slice %arg3[%dma_wait3A_116, %dma_wait3A_117] : memref<100000x1024xf32, #tpu.memory_space<hbm>> -> memref<100000x1024xf32, #tpu.memory_space<hbm>>
      tpu.wait_indirect_dma semaphore(%arg13 : memref<!tpu.dma_semaphore, #tpu.memory_space<semaphore_mem>>) src(%dma_wait3A_118 : memref<100000x1024xf32, #tpu.memory_space<hbm>>) dst(%arg7 : memref<16x1024xf32, #tpu.memory_space<vmem>>)
      %dma_wait3A_119 = arith.constant 0 : i32
      %dma_wait3A_120 = arith.constant 0 : i32
      %dma_wait3A_121 = tpu.memref_slice %arg4[%dma_wait3A_119, %dma_wait3A_120] : memref<4096x1024xf32, #tpu.memory_space<hbm>> -> memref<16x1024xf32, #tpu.memory_space<hbm>>
      %dma_wait3A_122 = arith.constant 0 : i32
      %dma_wait3A_123 = arith.constant 0 : i32
      %dma_wait3A_124 = tpu.memref_slice %arg4[%dma_wait3A_122, %dma_wait3A_123] : memref<4096x1024xf32, #tpu.memory_space<hbm>> -> memref<16x1024xf32, #tpu.memory_space<hbm>>
      tpu.wait_dma2 semaphore(%arg21 : memref<!tpu.dma_semaphore, #tpu.memory_space<semaphore_mem>>) src(%dma_wait3A_124 : memref<16x1024xf32, #tpu.memory_space<hbm>>) dst(%arg11 : memref<16x1024xf32, #tpu.memory_space<vmem>>)
      %parallel_loop3A_125 = arith.constant 0 : i32
      %parallel_loop3A_126 = arith.constant 1024 : i32
      %parallel_loop3A_127 = arith.constant 1 : i32
      scf.for %parallel_loop3A_362 = %parallel_loop3A_125 to %parallel_loop3A_126 step %parallel_loop3A_127  : i32 {
        %parallel_loop3A_363 = arith.constant 6 : i32
        %parallel_loop3A_364 = arith.shrui %parallel_loop3A_362, %parallel_loop3A_363 : i32
        %parallel_loop3A_365 = arith.constant 63 : i32
        %parallel_loop3A_366 = arith.andi %parallel_loop3A_362, %parallel_loop3A_365 : i32
        %parallel_loop3A_367 = arith.constant 16 : i32
        %parallel_loop3A_368 = arith.muli %parallel_loop3A_366, %parallel_loop3A_367 : i32
        %parallel_loop3A_369 = arith.index_cast %parallel_loop3A_364 : i32 to index
        %parallel_loop3A_370 = arith.index_cast %parallel_loop3A_368 : i32 to index
        %parallel_loop3A_371 = tpu.vector_load %arg11[%parallel_loop3A_369, %parallel_loop3A_370] {strides = array<i32>} : memref<16x1024xf32, #tpu.memory_space<vmem>>, vector<1x16xf32>,
        %parallel_loop3A_372 = vector.shape_cast %parallel_loop3A_371 : vector<1x16xf32> to vector<16xf32>
        %parallel_loop3A_373 = arith.index_cast %parallel_loop3A_364 : i32 to index
        %parallel_loop3A_374 = arith.index_cast %parallel_loop3A_368 : i32 to index
        %parallel_loop3A_375 = tpu.vector_load %arg7[%parallel_loop3A_373, %parallel_loop3A_374] {strides = array<i32>} : memref<16x1024xf32, #tpu.memory_space<vmem>>, vector<1x16xf32>,
        %parallel_loop3A_376 = vector.shape_cast %parallel_loop3A_375 : vector<1x16xf32> to vector<16xf32>
        %parallel_loop3A_377 = vector.shape_cast %parallel_loop3A_372 : vector<16xf32> to vector<1x16xf32>
        tpu.vector_store %arg7[%parallel_loop3A_373, %parallel_loop3A_374], %parallel_loop3A_377 {add = true, strides = array<i32>} : memref<16x1024xf32, #tpu.memory_space<vmem>>, vector<1x16xf32>,
      } {sc.loop_unroll_factor = 8 : i64, sc.parallel_access}
      %mul3A_128 = arith.constant 16 : i32
      %mul3A_129 = arith.muli %mul3A_84, %mul3A_128 : i32
      %add3A_130 = arith.addi %mul3A_2, %mul3A_129 : i32
      %dma_start3A_131 = arith.constant 0 : i32
      %dma_start3A_132 = arith.constant 0 : i32
      %dma_start3A_133 = tpu.memref_slice %arg5[%dma_start3A_131, %add3A_130, %dma_start3A_132] : memref<4x4096x1024xf32, #tpu.memory_space<hbm>> -> memref<1x16x1024xf32, #tpu.memory_space<hbm>>
      %dma_start3A_134 = tpu.memref_squeeze %dma_start3A_133 : memref<1x16x1024xf32, #tpu.memory_space<hbm>> -> memref<16x1024xf32, #tpu.memory_space<hbm>>
      %dma_start3A_135 = arith.constant 0 : i32
      %dma_start3A_136 = tpu.memref_slice %arg5[%dma_start3A_131, %add3A_130, %dma_start3A_135] : memref<4x4096x1024xf32, #tpu.memory_space<hbm>> -> memref<1x16x1024xf32, #tpu.memory_space<hbm>>
      %dma_start3A_137 = tpu.memref_squeeze %dma_start3A_136 : memref<1x16x1024xf32, #tpu.memory_space<hbm>> -> memref<16x1024xf32, #tpu.memory_space<hbm>>
      tpu.enqueue_dma source(%arg7 : memref<16x1024xf32, #tpu.memory_space<vmem>>) target(%dma_start3A_137 : memref<16x1024xf32, #tpu.memory_space<hbm>>) target_semaphore(%arg17 : memref<!tpu.dma_semaphore, #tpu.memory_space<semaphore_mem>>)
      %gt3A_138 = arith.constant 0 : i32
      %gt3A_139 = arith.cmpi sgt, %scan3A_81, %gt3A_138 : i32
      %convert_element_type3A_140 = arith.extui %gt3A_139 : i1 to i32
      %cond3A_141 = arith.constant 0 : i32
      %cond3A_142 = arith.cmpi ne, %convert_element_type3A_140, %cond3A_141 : i32
      scf.if %cond3A_142 {
        %dma_wait3A_362 = arith.constant 0 : i32
        %dma_wait3A_363 = arith.constant 0 : i32
        %dma_wait3A_364 = arith.constant 0 : i32
        %dma_wait3A_365 = tpu.memref_slice %arg5[%dma_wait3A_362, %dma_wait3A_363, %dma_wait3A_364] : memref<4x4096x1024xf32, #tpu.memory_space<hbm>> -> memref<1x16x1024xf32, #tpu.memory_space<hbm>>
        %dma_wait3A_366 = tpu.memref_squeeze %dma_wait3A_365 : memref<1x16x1024xf32, #tpu.memory_space<hbm>> -> memref<16x1024xf32, #tpu.memory_space<hbm>>
        %dma_wait3A_367 = arith.constant 0 : i32
        %dma_wait3A_368 = arith.constant 0 : i32
        %dma_wait3A_369 = tpu.memref_slice %arg5[%dma_wait3A_362, %dma_wait3A_367, %dma_wait3A_368] : memref<4x4096x1024xf32, #tpu.memory_space<hbm>> -> memref<1x16x1024xf32, #tpu.memory_space<hbm>>
        %dma_wait3A_370 = tpu.memref_squeeze %dma_wait3A_369 : memref<1x16x1024xf32, #tpu.memory_space<hbm>> -> memref<16x1024xf32, #tpu.memory_space<hbm>>
        tpu.wait_dma2 semaphore(%arg19 : memref<!tpu.dma_semaphore, #tpu.memory_space<semaphore_mem>>) src(%arg9 : memref<16x1024xf32, #tpu.memory_space<vmem>>) dst(%dma_wait3A_370 : memref<16x1024xf32, #tpu.memory_space<hbm>>)
      } else {
      }
      %mul3A_143 = arith.constant 16 : i32
      %mul3A_144 = arith.muli %mul3A_84, %mul3A_143 : i32
      %dma_start3A_145 = arith.constant 2 : i32
      %dma_start3A_146 = tpu.memref_slice %arg6[%dma_start3A_145, %mul3A_144] : memref<4x128xi32, #tpu.memory_space<vmem>> -> memref<1x16xi32, #tpu.memory_space<vmem>>
      %dma_start3A_147 = tpu.memref_squeeze %dma_start3A_146 : memref<1x16xi32, #tpu.memory_space<vmem>> -> memref<16xi32, #tpu.memory_space<vmem>>
      %dma_start3A_148 = arith.constant 0 : i32
      %dma_start3A_149 = arith.constant 0 : i32
      %dma_start3A_150 = tpu.memref_slice %arg3[%dma_start3A_148, %dma_start3A_149] : memref<100000x1024xf32, #tpu.memory_space<hbm>> -> memref<100000x1024xf32, #tpu.memory_space<hbm>>
      tpu.enqueue_indirect_dma source(%dma_start3A_150 : memref<100000x1024xf32, #tpu.memory_space<hbm>>) target(%arg9 : memref<16x1024xf32, #tpu.memory_space<vmem>>) offsets(%dma_start3A_147 : memref<16xi32, #tpu.memory_space<vmem>>) semaphore(%arg15 : memref<!tpu.dma_semaphore, #tpu.memory_space<semaphore_mem>>)
      %dma_wait3A_151 = arith.constant 1 : i32
      %dma_wait3A_152 = arith.constant 0 : i32
      %dma_wait3A_153 = tpu.memref_slice %arg6[%dma_wait3A_151, %dma_wait3A_152] : memref<4x128xi32, #tpu.memory_space<vmem>> -> memref<1x16xi32, #tpu.memory_space<vmem>>
      %dma_wait3A_154 = tpu.memref_squeeze %dma_wait3A_153 : memref<1x16xi32, #tpu.memory_space<vmem>> -> memref<16xi32, #tpu.memory_space<vmem>>
      %dma_wait3A_155 = arith.constant 0 : i32
      %dma_wait3A_156 = arith.constant 0 : i32
      %dma_wait3A_157 = tpu.memref_slice %arg3[%dma_wait3A_155, %dma_wait3A_156] : memref<100000x1024xf32, #tpu.memory_space<hbm>> -> memref<100000x1024xf32, #tpu.memory_space<hbm>>
      tpu.wait_indirect_dma semaphore(%arg14 : memref<!tpu.dma_semaphore, #tpu.memory_space<semaphore_mem>>) src(%dma_wait3A_157 : memref<100000x1024xf32, #tpu.memory_space<hbm>>) dst(%arg8 : memref<16x1024xf32, #tpu.memory_space<vmem>>)
      %parallel_loop3A_158 = arith.constant 0 : i32
      %parallel_loop3A_159 = arith.constant 1024 : i32
      %parallel_loop3A_160 = arith.constant 1 : i32
      scf.for %parallel_loop3A_362 = %parallel_loop3A_158 to %parallel_loop3A_159 step %parallel_loop3A_160  : i32 {
        %parallel_loop3A_363 = arith.constant 6 : i32
        %parallel_loop3A_364 = arith.shrui %parallel_loop3A_362, %parallel_loop3A_363 : i32
        %parallel_loop3A_365 = arith.constant 63 : i32
        %parallel_loop3A_366 = arith.andi %parallel_loop3A_362, %parallel_loop3A_365 : i32
        %parallel_loop3A_367 = arith.constant 16 : i32
        %parallel_loop3A_368 = arith.muli %parallel_loop3A_366, %parallel_loop3A_367 : i32
        %parallel_loop3A_369 = arith.index_cast %parallel_loop3A_364 : i32 to index
        %parallel_loop3A_370 = arith.index_cast %parallel_loop3A_368 : i32 to index
        %parallel_loop3A_371 = tpu.vector_load %arg11[%parallel_loop3A_369, %parallel_loop3A_370] {strides = array<i32>} : memref<16x1024xf32, #tpu.memory_space<vmem>>, vector<1x16xf32>,
        %parallel_loop3A_372 = vector.shape_cast %parallel_loop3A_371 : vector<1x16xf32> to vector<16xf32>
        %parallel_loop3A_373 = arith.index_cast %parallel_loop3A_364 : i32 to index
        %parallel_loop3A_374 = arith.index_cast %parallel_loop3A_368 : i32 to index
        %parallel_loop3A_375 = tpu.vector_load %arg8[%parallel_loop3A_373, %parallel_loop3A_374] {strides = array<i32>} : memref<16x1024xf32, #tpu.memory_space<vmem>>, vector<1x16xf32>,
        %parallel_loop3A_376 = vector.shape_cast %parallel_loop3A_375 : vector<1x16xf32> to vector<16xf32>
        %parallel_loop3A_377 = vector.shape_cast %parallel_loop3A_372 : vector<16xf32> to vector<1x16xf32>
        tpu.vector_store %arg8[%parallel_loop3A_373, %parallel_loop3A_374], %parallel_loop3A_377 {add = true, strides = array<i32>} : memref<16x1024xf32, #tpu.memory_space<vmem>>, vector<1x16xf32>,
      } {sc.loop_unroll_factor = 8 : i64, sc.parallel_access}
      %mul3A_161 = arith.constant 16 : i32
      %mul3A_162 = arith.muli %mul3A_84, %mul3A_161 : i32
      %add3A_163 = arith.addi %mul3A_2, %mul3A_162 : i32
      %dma_start3A_164 = arith.constant 1 : i32
      %dma_start3A_165 = arith.constant 0 : i32
      %dma_start3A_166 = tpu.memref_slice %arg5[%dma_start3A_164, %add3A_163, %dma_start3A_165] : memref<4x4096x1024xf32, #tpu.memory_space<hbm>> -> memref<1x16x1024xf32, #tpu.memory_space<hbm>>
      %dma_start3A_167 = tpu.memref_squeeze %dma_start3A_166 : memref<1x16x1024xf32, #tpu.memory_space<hbm>> -> memref<16x1024xf32, #tpu.memory_space<hbm>>
      %dma_start3A_168 = arith.constant 0 : i32
      %dma_start3A_169 = tpu.memref_slice %arg5[%dma_start3A_164, %add3A_163, %dma_start3A_168] : memref<4x4096x1024xf32, #tpu.memory_space<hbm>> -> memref<1x16x1024xf32, #tpu.memory_space<hbm>>
      %dma_start3A_170 = tpu.memref_squeeze %dma_start3A_169 : memref<1x16x1024xf32, #tpu.memory_space<hbm>> -> memref<16x1024xf32, #tpu.memory_space<hbm>>
      tpu.enqueue_dma source(%arg8 : memref<16x1024xf32, #tpu.memory_space<vmem>>) target(%dma_start3A_170 : memref<16x1024xf32, #tpu.memory_space<hbm>>) target_semaphore(%arg18 : memref<!tpu.dma_semaphore, #tpu.memory_space<semaphore_mem>>)
      %gt3A_171 = arith.constant 0 : i32
      %gt3A_172 = arith.cmpi sgt, %scan3A_81, %gt3A_171 : i32
      %convert_element_type3A_173 = arith.extui %gt3A_172 : i1 to i32
      %cond3A_174 = arith.constant 0 : i32
      %cond3A_175 = arith.cmpi ne, %convert_element_type3A_173, %cond3A_174 : i32
      scf.if %cond3A_175 {
        %dma_wait3A_362 = arith.constant 0 : i32
        %dma_wait3A_363 = arith.constant 0 : i32
        %dma_wait3A_364 = arith.constant 0 : i32
        %dma_wait3A_365 = tpu.memref_slice %arg5[%dma_wait3A_362, %dma_wait3A_363, %dma_wait3A_364] : memref<4x4096x1024xf32, #tpu.memory_space<hbm>> -> memref<1x16x1024xf32, #tpu.memory_space<hbm>>
        %dma_wait3A_366 = tpu.memref_squeeze %dma_wait3A_365 : memref<1x16x1024xf32, #tpu.memory_space<hbm>> -> memref<16x1024xf32, #tpu.memory_space<hbm>>
        %dma_wait3A_367 = arith.constant 0 : i32
        %dma_wait3A_368 = arith.constant 0 : i32
        %dma_wait3A_369 = tpu.memref_slice %arg5[%dma_wait3A_362, %dma_wait3A_367, %dma_wait3A_368] : memref<4x4096x1024xf32, #tpu.memory_space<hbm>> -> memref<1x16x1024xf32, #tpu.memory_space<hbm>>
        %dma_wait3A_370 = tpu.memref_squeeze %dma_wait3A_369 : memref<1x16x1024xf32, #tpu.memory_space<hbm>> -> memref<16x1024xf32, #tpu.memory_space<hbm>>
        tpu.wait_dma2 semaphore(%arg20 : memref<!tpu.dma_semaphore, #tpu.memory_space<semaphore_mem>>) src(%arg10 : memref<16x1024xf32, #tpu.memory_space<vmem>>) dst(%dma_wait3A_370 : memref<16x1024xf32, #tpu.memory_space<hbm>>)
      } else {
      }
      %mul3A_176 = arith.constant 16 : i32
      %mul3A_177 = arith.muli %mul3A_84, %mul3A_176 : i32
      %dma_start3A_178 = arith.constant 3 : i32
      %dma_start3A_179 = tpu.memref_slice %arg6[%dma_start3A_178, %mul3A_177] : memref<4x128xi32, #tpu.memory_space<vmem>> -> memref<1x16xi32, #tpu.memory_space<vmem>>
      %dma_start3A_180 = tpu.memref_squeeze %dma_start3A_179 : memref<1x16xi32, #tpu.memory_space<vmem>> -> memref<16xi32, #tpu.memory_space<vmem>>
      %dma_start3A_181 = arith.constant 0 : i32
      %dma_start3A_182 = arith.constant 0 : i32
      %dma_start3A_183 = tpu.memref_slice %arg3[%dma_start3A_181, %dma_start3A_182] : memref<100000x1024xf32, #tpu.memory_space<hbm>> -> memref<100000x1024xf32, #tpu.memory_space<hbm>>
      tpu.enqueue_indirect_dma source(%dma_start3A_183 : memref<100000x1024xf32, #tpu.memory_space<hbm>>) target(%arg10 : memref<16x1024xf32, #tpu.memory_space<vmem>>) offsets(%dma_start3A_180 : memref<16xi32, #tpu.memory_space<vmem>>) semaphore(%arg16 : memref<!tpu.dma_semaphore, #tpu.memory_space<semaphore_mem>>)
      %dma_wait3A_184 = arith.constant 2 : i32
      %dma_wait3A_185 = arith.constant 0 : i32
      %dma_wait3A_186 = tpu.memref_slice %arg6[%dma_wait3A_184, %dma_wait3A_185] : memref<4x128xi32, #tpu.memory_space<vmem>> -> memref<1x16xi32, #tpu.memory_space<vmem>>
      %dma_wait3A_187 = tpu.memref_squeeze %dma_wait3A_186 : memref<1x16xi32, #tpu.memory_space<vmem>> -> memref<16xi32, #tpu.memory_space<vmem>>
      %dma_wait3A_188 = arith.constant 0 : i32
      %dma_wait3A_189 = arith.constant 0 : i32
      %dma_wait3A_190 = tpu.memref_slice %arg3[%dma_wait3A_188, %dma_wait3A_189] : memref<100000x1024xf32, #tpu.memory_space<hbm>> -> memref<100000x1024xf32, #tpu.memory_space<hbm>>
      tpu.wait_indirect_dma semaphore(%arg15 : memref<!tpu.dma_semaphore, #tpu.memory_space<semaphore_mem>>) src(%dma_wait3A_190 : memref<100000x1024xf32, #tpu.memory_space<hbm>>) dst(%arg9 : memref<16x1024xf32, #tpu.memory_space<vmem>>)
      %parallel_loop3A_191 = arith.constant 0 : i32
      %parallel_loop3A_192 = arith.constant 1024 : i32
      %parallel_loop3A_193 = arith.constant 1 : i32
      scf.for %parallel_loop3A_362 = %parallel_loop3A_191 to %parallel_loop3A_192 step %parallel_loop3A_193  : i32 {
        %parallel_loop3A_363 = arith.constant 6 : i32
        %parallel_loop3A_364 = arith.shrui %parallel_loop3A_362, %parallel_loop3A_363 : i32
        %parallel_loop3A_365 = arith.constant 63 : i32
        %parallel_loop3A_366 = arith.andi %parallel_loop3A_362, %parallel_loop3A_365 : i32
        %parallel_loop3A_367 = arith.constant 16 : i32
        %parallel_loop3A_368 = arith.muli %parallel_loop3A_366, %parallel_loop3A_367 : i32
        %parallel_loop3A_369 = arith.index_cast %parallel_loop3A_364 : i32 to index
        %parallel_loop3A_370 = arith.index_cast %parallel_loop3A_368 : i32 to index
        %parallel_loop3A_371 = tpu.vector_load %arg11[%parallel_loop3A_369, %parallel_loop3A_370] {strides = array<i32>} : memref<16x1024xf32, #tpu.memory_space<vmem>>, vector<1x16xf32>,
        %parallel_loop3A_372 = vector.shape_cast %parallel_loop3A_371 : vector<1x16xf32> to vector<16xf32>
        %parallel_loop3A_373 = arith.index_cast %parallel_loop3A_364 : i32 to index
        %parallel_loop3A_374 = arith.index_cast %parallel_loop3A_368 : i32 to index
        %parallel_loop3A_375 = tpu.vector_load %arg9[%parallel_loop3A_373, %parallel_loop3A_374] {strides = array<i32>} : memref<16x1024xf32, #tpu.memory_space<vmem>>, vector<1x16xf32>,
        %parallel_loop3A_376 = vector.shape_cast %parallel_loop3A_375 : vector<1x16xf32> to vector<16xf32>
        %parallel_loop3A_377 = vector.shape_cast %parallel_loop3A_372 : vector<16xf32> to vector<1x16xf32>
        tpu.vector_store %arg9[%parallel_loop3A_373, %parallel_loop3A_374], %parallel_loop3A_377 {add = true, strides = array<i32>} : memref<16x1024xf32, #tpu.memory_space<vmem>>, vector<1x16xf32>,
      } {sc.loop_unroll_factor = 8 : i64, sc.parallel_access}
      %mul3A_194 = arith.constant 16 : i32
      %mul3A_195 = arith.muli %mul3A_84, %mul3A_194 : i32
      %add3A_196 = arith.addi %mul3A_2, %mul3A_195 : i32
      %dma_start3A_197 = arith.constant 2 : i32
      %dma_start3A_198 = arith.constant 0 : i32
      %dma_start3A_199 = tpu.memref_slice %arg5[%dma_start3A_197, %add3A_196, %dma_start3A_198] : memref<4x4096x1024xf32, #tpu.memory_space<hbm>> -> memref<1x16x1024xf32, #tpu.memory_space<hbm>>
      %dma_start3A_200 = tpu.memref_squeeze %dma_start3A_199 : memref<1x16x1024xf32, #tpu.memory_space<hbm>> -> memref<16x1024xf32, #tpu.memory_space<hbm>>
      %dma_start3A_201 = arith.constant 0 : i32
      %dma_start3A_202 = tpu.memref_slice %arg5[%dma_start3A_197, %add3A_196, %dma_start3A_201] : memref<4x4096x1024xf32, #tpu.memory_space<hbm>> -> memref<1x16x1024xf32, #tpu.memory_space<hbm>>
      %dma_start3A_203 = tpu.memref_squeeze %dma_start3A_202 : memref<1x16x1024xf32, #tpu.memory_space<hbm>> -> memref<16x1024xf32, #tpu.memory_space<hbm>>
      tpu.enqueue_dma source(%arg9 : memref<16x1024xf32, #tpu.memory_space<vmem>>) target(%dma_start3A_203 : memref<16x1024xf32, #tpu.memory_space<hbm>>) target_semaphore(%arg19 : memref<!tpu.dma_semaphore, #tpu.memory_space<semaphore_mem>>)
      %dma_wait3A_204 = arith.constant 0 : i32
      %dma_wait3A_205 = arith.constant 0 : i32
      %dma_wait3A_206 = arith.constant 0 : i32
      %dma_wait3A_207 = tpu.memref_slice %arg5[%dma_wait3A_204, %dma_wait3A_205, %dma_wait3A_206] : memref<4x4096x1024xf32, #tpu.memory_space<hbm>> -> memref<1x16x1024xf32, #tpu.memory_space<hbm>>
      %dma_wait3A_208 = tpu.memref_squeeze %dma_wait3A_207 : memref<1x16x1024xf32, #tpu.memory_space<hbm>> -> memref<16x1024xf32, #tpu.memory_space<hbm>>
      %dma_wait3A_209 = arith.constant 0 : i32
      %dma_wait3A_210 = arith.constant 0 : i32
      %dma_wait3A_211 = tpu.memref_slice %arg5[%dma_wait3A_204, %dma_wait3A_209, %dma_wait3A_210] : memref<4x4096x1024xf32, #tpu.memory_space<hbm>> -> memref<1x16x1024xf32, #tpu.memory_space<hbm>>
      %dma_wait3A_212 = tpu.memref_squeeze %dma_wait3A_211 : memref<1x16x1024xf32, #tpu.memory_space<hbm>> -> memref<16x1024xf32, #tpu.memory_space<hbm>>
      tpu.wait_dma2 semaphore(%arg17 : memref<!tpu.dma_semaphore, #tpu.memory_space<semaphore_mem>>) src(%arg7 : memref<16x1024xf32, #tpu.memory_space<vmem>>) dst(%dma_wait3A_212 : memref<16x1024xf32, #tpu.memory_space<hbm>>)
      %mul3A_213 = arith.constant 16 : i32
      %mul3A_214 = arith.muli %add3A_86, %mul3A_213 : i32
      %dma_start3A_215 = arith.constant 0 : i32
      %dma_start3A_216 = tpu.memref_slice %arg6[%dma_start3A_215, %mul3A_214] : memref<4x128xi32, #tpu.memory_space<vmem>> -> memref<1x16xi32, #tpu.memory_space<vmem>>
      %dma_start3A_217 = tpu.memref_squeeze %dma_start3A_216 : memref<1x16xi32, #tpu.memory_space<vmem>> -> memref<16xi32, #tpu.memory_space<vmem>>
      %dma_start3A_218 = arith.constant 0 : i32
      %dma_start3A_219 = arith.constant 0 : i32
      %dma_start3A_220 = tpu.memref_slice %arg3[%dma_start3A_218, %dma_start3A_219] : memref<100000x1024xf32, #tpu.memory_space<hbm>> -> memref<100000x1024xf32, #tpu.memory_space<hbm>>
      tpu.enqueue_indirect_dma source(%dma_start3A_220 : memref<100000x1024xf32, #tpu.memory_space<hbm>>) target(%arg7 : memref<16x1024xf32, #tpu.memory_space<vmem>>) offsets(%dma_start3A_217 : memref<16xi32, #tpu.memory_space<vmem>>) semaphore(%arg13 : memref<!tpu.dma_semaphore, #tpu.memory_space<semaphore_mem>>)
      %dma_wait3A_221 = arith.constant 3 : i32
      %dma_wait3A_222 = arith.constant 0 : i32
      %dma_wait3A_223 = tpu.memref_slice %arg6[%dma_wait3A_221, %dma_wait3A_222] : memref<4x128xi32, #tpu.memory_space<vmem>> -> memref<1x16xi32, #tpu.memory_space<vmem>>
      %dma_wait3A_224 = tpu.memref_squeeze %dma_wait3A_223 : memref<1x16xi32, #tpu.memory_space<vmem>> -> memref<16xi32, #tpu.memory_space<vmem>>
      %dma_wait3A_225 = arith.constant 0 : i32
      %dma_wait3A_226 = arith.constant 0 : i32
      %dma_wait3A_227 = tpu.memref_slice %arg3[%dma_wait3A_225, %dma_wait3A_226] : memref<100000x1024xf32, #tpu.memory_space<hbm>> -> memref<100000x1024xf32, #tpu.memory_space<hbm>>
      tpu.wait_indirect_dma semaphore(%arg16 : memref<!tpu.dma_semaphore, #tpu.memory_space<semaphore_mem>>) src(%dma_wait3A_227 : memref<100000x1024xf32, #tpu.memory_space<hbm>>) dst(%arg10 : memref<16x1024xf32, #tpu.memory_space<vmem>>)
      %parallel_loop3A_228 = arith.constant 0 : i32
      %parallel_loop3A_229 = arith.constant 1024 : i32
      %parallel_loop3A_230 = arith.constant 1 : i32
      scf.for %parallel_loop3A_362 = %parallel_loop3A_228 to %parallel_loop3A_229 step %parallel_loop3A_230  : i32 {
        %parallel_loop3A_363 = arith.constant 6 : i32
        %parallel_loop3A_364 = arith.shrui %parallel_loop3A_362, %parallel_loop3A_363 : i32
        %parallel_loop3A_365 = arith.constant 63 : i32
        %parallel_loop3A_366 = arith.andi %parallel_loop3A_362, %parallel_loop3A_365 : i32
        %parallel_loop3A_367 = arith.constant 16 : i32
        %parallel_loop3A_368 = arith.muli %parallel_loop3A_366, %parallel_loop3A_367 : i32
        %parallel_loop3A_369 = arith.index_cast %parallel_loop3A_364 : i32 to index
        %parallel_loop3A_370 = arith.index_cast %parallel_loop3A_368 : i32 to index
        %parallel_loop3A_371 = tpu.vector_load %arg11[%parallel_loop3A_369, %parallel_loop3A_370] {strides = array<i32>} : memref<16x1024xf32, #tpu.memory_space<vmem>>, vector<1x16xf32>,
        %parallel_loop3A_372 = vector.shape_cast %parallel_loop3A_371 : vector<1x16xf32> to vector<16xf32>
        %parallel_loop3A_373 = arith.index_cast %parallel_loop3A_364 : i32 to index
        %parallel_loop3A_374 = arith.index_cast %parallel_loop3A_368 : i32 to index
        %parallel_loop3A_375 = tpu.vector_load %arg10[%parallel_loop3A_373, %parallel_loop3A_374] {strides = array<i32>} : memref<16x1024xf32, #tpu.memory_space<vmem>>, vector<1x16xf32>,
        %parallel_loop3A_376 = vector.shape_cast %parallel_loop3A_375 : vector<1x16xf32> to vector<16xf32>
        %parallel_loop3A_377 = vector.shape_cast %parallel_loop3A_372 : vector<16xf32> to vector<1x16xf32>
        tpu.vector_store %arg10[%parallel_loop3A_373, %parallel_loop3A_374], %parallel_loop3A_377 {add = true, strides = array<i32>} : memref<16x1024xf32, #tpu.memory_space<vmem>>, vector<1x16xf32>,
      } {sc.loop_unroll_factor = 8 : i64, sc.parallel_access}
      %mul3A_231 = arith.constant 16 : i32
      %mul3A_232 = arith.muli %mul3A_84, %mul3A_231 : i32
      %add3A_233 = arith.addi %mul3A_2, %mul3A_232 : i32
      %dma_start3A_234 = arith.constant 3 : i32
      %dma_start3A_235 = arith.constant 0 : i32
      %dma_start3A_236 = tpu.memref_slice %arg5[%dma_start3A_234, %add3A_233, %dma_start3A_235] : memref<4x4096x1024xf32, #tpu.memory_space<hbm>> -> memref<1x16x1024xf32, #tpu.memory_space<hbm>>
      %dma_start3A_237 = tpu.memref_squeeze %dma_start3A_236 : memref<1x16x1024xf32, #tpu.memory_space<hbm>> -> memref<16x1024xf32, #tpu.memory_space<hbm>>
      %dma_start3A_238 = arith.constant 0 : i32
      %dma_start3A_239 = tpu.memref_slice %arg5[%dma_start3A_234, %add3A_233, %dma_start3A_238] : memref<4x4096x1024xf32, #tpu.memory_space<hbm>> -> memref<1x16x1024xf32, #tpu.memory_space<hbm>>
      %dma_start3A_240 = tpu.memref_squeeze %dma_start3A_239 : memref<1x16x1024xf32, #tpu.memory_space<hbm>> -> memref<16x1024xf32, #tpu.memory_space<hbm>>
      tpu.enqueue_dma source(%arg10 : memref<16x1024xf32, #tpu.memory_space<vmem>>) target(%dma_start3A_240 : memref<16x1024xf32, #tpu.memory_space<hbm>>) target_semaphore(%arg20 : memref<!tpu.dma_semaphore, #tpu.memory_space<semaphore_mem>>)
      %convert_element_type3A_241 = arith.extui %lt3A_88 : i1 to i32
      %cond3A_242 = arith.constant 0 : i32
      %cond3A_243 = arith.cmpi ne, %convert_element_type3A_241, %cond3A_242 : i32
      scf.if %cond3A_243 {
        %add3A_362 = arith.constant 2 : i32
        %add3A_363 = arith.addi %mul3A_84, %add3A_362 : i32
        %mul3A_364 = arith.constant 16 : i32
        %mul3A_365 = arith.muli %add3A_363, %mul3A_364 : i32
        %add3A_366 = arith.addi %mul3A_2, %mul3A_365 : i32
        %dma_start3A_367 = arith.constant 0 : i32
        %dma_start3A_368 = tpu.memref_slice %arg4[%add3A_366, %dma_start3A_367] : memref<4096x1024xf32, #tpu.memory_space<hbm>> -> memref<16x1024xf32, #tpu.memory_space<hbm>>
        %dma_start3A_369 = arith.constant 0 : i32
        %dma_start3A_370 = tpu.memref_slice %arg4[%add3A_366, %dma_start3A_369] : memref<4096x1024xf32, #tpu.memory_space<hbm>> -> memref<16x1024xf32, #tpu.memory_space<hbm>>
        tpu.enqueue_dma source(%dma_start3A_370 : memref<16x1024xf32, #tpu.memory_space<hbm>>) target(%arg11 : memref<16x1024xf32, #tpu.memory_space<vmem>>) target_semaphore(%arg21 : memref<!tpu.dma_semaphore, #tpu.memory_space<semaphore_mem>>)
      } else {
      }
      %dma_wait3A_244 = arith.constant 0 : i32
      %dma_wait3A_245 = arith.constant 0 : i32
      %dma_wait3A_246 = arith.constant 0 : i32
      %dma_wait3A_247 = tpu.memref_slice %arg5[%dma_wait3A_244, %dma_wait3A_245, %dma_wait3A_246] : memref<4x4096x1024xf32, #tpu.memory_space<hbm>> -> memref<1x16x1024xf32, #tpu.memory_space<hbm>>
      %dma_wait3A_248 = tpu.memref_squeeze %dma_wait3A_247 : memref<1x16x1024xf32, #tpu.memory_space<hbm>> -> memref<16x1024xf32, #tpu.memory_space<hbm>>
      %dma_wait3A_249 = arith.constant 0 : i32
      %dma_wait3A_250 = arith.constant 0 : i32
      %dma_wait3A_251 = tpu.memref_slice %arg5[%dma_wait3A_244, %dma_wait3A_249, %dma_wait3A_250] : memref<4x4096x1024xf32, #tpu.memory_space<hbm>> -> memref<1x16x1024xf32, #tpu.memory_space<hbm>>
      %dma_wait3A_252 = tpu.memref_squeeze %dma_wait3A_251 : memref<1x16x1024xf32, #tpu.memory_space<hbm>> -> memref<16x1024xf32, #tpu.memory_space<hbm>>
      tpu.wait_dma2 semaphore(%arg18 : memref<!tpu.dma_semaphore, #tpu.memory_space<semaphore_mem>>) src(%arg8 : memref<16x1024xf32, #tpu.memory_space<vmem>>) dst(%dma_wait3A_252 : memref<16x1024xf32, #tpu.memory_space<hbm>>)
      %mul3A_253 = arith.constant 16 : i32
      %mul3A_254 = arith.muli %add3A_86, %mul3A_253 : i32
      %dma_start3A_255 = arith.constant 1 : i32
      %dma_start3A_256 = tpu.memref_slice %arg6[%dma_start3A_255, %mul3A_254] : memref<4x128xi32, #tpu.memory_space<vmem>> -> memref<1x16xi32, #tpu.memory_space<vmem>>
      %dma_start3A_257 = tpu.memref_squeeze %dma_start3A_256 : memref<1x16xi32, #tpu.memory_space<vmem>> -> memref<16xi32, #tpu.memory_space<vmem>>
      %dma_start3A_258 = arith.constant 0 : i32
      %dma_start3A_259 = arith.constant 0 : i32
      %dma_start3A_260 = tpu.memref_slice %arg3[%dma_start3A_258, %dma_start3A_259] : memref<100000x1024xf32, #tpu.memory_space<hbm>> -> memref<100000x1024xf32, #tpu.memory_space<hbm>>
      tpu.enqueue_indirect_dma source(%dma_start3A_260 : memref<100000x1024xf32, #tpu.memory_space<hbm>>) target(%arg8 : memref<16x1024xf32, #tpu.memory_space<vmem>>) offsets(%dma_start3A_257 : memref<16xi32, #tpu.memory_space<vmem>>) semaphore(%arg14 : memref<!tpu.dma_semaphore, #tpu.memory_space<semaphore_mem>>)
      %dma_wait3A_261 = arith.constant 0 : i32
      %dma_wait3A_262 = arith.constant 0 : i32
      %dma_wait3A_263 = tpu.memref_slice %arg6[%dma_wait3A_261, %dma_wait3A_262] : memref<4x128xi32, #tpu.memory_space<vmem>> -> memref<1x16xi32, #tpu.memory_space<vmem>>
      %dma_wait3A_264 = tpu.memref_squeeze %dma_wait3A_263 : memref<1x16xi32, #tpu.memory_space<vmem>> -> memref<16xi32, #tpu.memory_space<vmem>>
      %dma_wait3A_265 = arith.constant 0 : i32
      %dma_wait3A_266 = arith.constant 0 : i32
      %dma_wait3A_267 = tpu.memref_slice %arg3[%dma_wait3A_265, %dma_wait3A_266] : memref<100000x1024xf32, #tpu.memory_space<hbm>> -> memref<100000x1024xf32, #tpu.memory_space<hbm>>
      tpu.wait_indirect_dma semaphore(%arg13 : memref<!tpu.dma_semaphore, #tpu.memory_space<semaphore_mem>>) src(%dma_wait3A_267 : memref<100000x1024xf32, #tpu.memory_space<hbm>>) dst(%arg7 : memref<16x1024xf32, #tpu.memory_space<vmem>>)
      %dma_wait3A_268 = arith.constant 0 : i32
      %dma_wait3A_269 = arith.constant 0 : i32
      %dma_wait3A_270 = tpu.memref_slice %arg4[%dma_wait3A_268, %dma_wait3A_269] : memref<4096x1024xf32, #tpu.memory_space<hbm>> -> memref<16x1024xf32, #tpu.memory_space<hbm>>
      %dma_wait3A_271 = arith.constant 0 : i32
      %dma_wait3A_272 = arith.constant 0 : i32
      %dma_wait3A_273 = tpu.memref_slice %arg4[%dma_wait3A_271, %dma_wait3A_272] : memref<4096x1024xf32, #tpu.memory_space<hbm>> -> memref<16x1024xf32, #tpu.memory_space<hbm>>
      tpu.wait_dma2 semaphore(%arg22 : memref<!tpu.dma_semaphore, #tpu.memory_space<semaphore_mem>>) src(%dma_wait3A_273 : memref<16x1024xf32, #tpu.memory_space<hbm>>) dst(%arg12 : memref<16x1024xf32, #tpu.memory_space<vmem>>)
      %parallel_loop3A_274 = arith.constant 0 : i32
      %parallel_loop3A_275 = arith.constant 1024 : i32
      %parallel_loop3A_276 = arith.constant 1 : i32
      scf.for %parallel_loop3A_362 = %parallel_loop3A_274 to %parallel_loop3A_275 step %parallel_loop3A_276  : i32 {
        %parallel_loop3A_363 = arith.constant 6 : i32
        %parallel_loop3A_364 = arith.shrui %parallel_loop3A_362, %parallel_loop3A_363 : i32
        %parallel_loop3A_365 = arith.constant 63 : i32
        %parallel_loop3A_366 = arith.andi %parallel_loop3A_362, %parallel_loop3A_365 : i32
        %parallel_loop3A_367 = arith.constant 16 : i32
        %parallel_loop3A_368 = arith.muli %parallel_loop3A_366, %parallel_loop3A_367 : i32
        %parallel_loop3A_369 = arith.index_cast %parallel_loop3A_364 : i32 to index
        %parallel_loop3A_370 = arith.index_cast %parallel_loop3A_368 : i32 to index
        %parallel_loop3A_371 = tpu.vector_load %arg12[%parallel_loop3A_369, %parallel_loop3A_370] {strides = array<i32>} : memref<16x1024xf32, #tpu.memory_space<vmem>>, vector<1x16xf32>,
        %parallel_loop3A_372 = vector.shape_cast %parallel_loop3A_371 : vector<1x16xf32> to vector<16xf32>
        %parallel_loop3A_373 = arith.index_cast %parallel_loop3A_364 : i32 to index
        %parallel_loop3A_374 = arith.index_cast %parallel_loop3A_368 : i32 to index
        %parallel_loop3A_375 = tpu.vector_load %arg7[%parallel_loop3A_373, %parallel_loop3A_374] {strides = array<i32>} : memref<16x1024xf32, #tpu.memory_space<vmem>>, vector<1x16xf32>,
        %parallel_loop3A_376 = vector.shape_cast %parallel_loop3A_375 : vector<1x16xf32> to vector<16xf32>
        %parallel_loop3A_377 = vector.shape_cast %parallel_loop3A_372 : vector<16xf32> to vector<1x16xf32>
        tpu.vector_store %arg7[%parallel_loop3A_373, %parallel_loop3A_374], %parallel_loop3A_377 {add = true, strides = array<i32>} : memref<16x1024xf32, #tpu.memory_space<vmem>>, vector<1x16xf32>,
      } {sc.loop_unroll_factor = 8 : i64, sc.parallel_access}
      %mul3A_277 = arith.constant 16 : i32
      %mul3A_278 = arith.muli %add3A_86, %mul3A_277 : i32
      %add3A_279 = arith.addi %mul3A_2, %mul3A_278 : i32
      %dma_start3A_280 = arith.constant 0 : i32
      %dma_start3A_281 = arith.constant 0 : i32
      %dma_start3A_282 = tpu.memref_slice %arg5[%dma_start3A_280, %add3A_279, %dma_start3A_281] : memref<4x4096x1024xf32, #tpu.memory_space<hbm>> -> memref<1x16x1024xf32, #tpu.memory_space<hbm>>
      %dma_start3A_283 = tpu.memref_squeeze %dma_start3A_282 : memref<1x16x1024xf32, #tpu.memory_space<hbm>> -> memref<16x1024xf32, #tpu.memory_space<hbm>>
      %dma_start3A_284 = arith.constant 0 : i32
      %dma_start3A_285 = tpu.memref_slice %arg5[%dma_start3A_280, %add3A_279, %dma_start3A_284] : memref<4x4096x1024xf32, #tpu.memory_space<hbm>> -> memref<1x16x1024xf32, #tpu.memory_space<hbm>>
      %dma_start3A_286 = tpu.memref_squeeze %dma_start3A_285 : memref<1x16x1024xf32, #tpu.memory_space<hbm>> -> memref<16x1024xf32, #tpu.memory_space<hbm>>
      tpu.enqueue_dma source(%arg7 : memref<16x1024xf32, #tpu.memory_space<vmem>>) target(%dma_start3A_286 : memref<16x1024xf32, #tpu.memory_space<hbm>>) target_semaphore(%arg17 : memref<!tpu.dma_semaphore, #tpu.memory_space<semaphore_mem>>)
      %dma_wait3A_287 = arith.constant 0 : i32
      %dma_wait3A_288 = arith.constant 0 : i32
      %dma_wait3A_289 = arith.constant 0 : i32
      %dma_wait3A_290 = tpu.memref_slice %arg5[%dma_wait3A_287, %dma_wait3A_288, %dma_wait3A_289] : memref<4x4096x1024xf32, #tpu.memory_space<hbm>> -> memref<1x16x1024xf32, #tpu.memory_space<hbm>>
      %dma_wait3A_291 = tpu.memref_squeeze %dma_wait3A_290 : memref<1x16x1024xf32, #tpu.memory_space<hbm>> -> memref<16x1024xf32, #tpu.memory_space<hbm>>
      %dma_wait3A_292 = arith.constant 0 : i32
      %dma_wait3A_293 = arith.constant 0 : i32
      %dma_wait3A_294 = tpu.memref_slice %arg5[%dma_wait3A_287, %dma_wait3A_292, %dma_wait3A_293] : memref<4x4096x1024xf32, #tpu.memory_space<hbm>> -> memref<1x16x1024xf32, #tpu.memory_space<hbm>>
      %dma_wait3A_295 = tpu.memref_squeeze %dma_wait3A_294 : memref<1x16x1024xf32, #tpu.memory_space<hbm>> -> memref<16x1024xf32, #tpu.memory_space<hbm>>
      tpu.wait_dma2 semaphore(%arg19 : memref<!tpu.dma_semaphore, #tpu.memory_space<semaphore_mem>>) src(%arg9 : memref<16x1024xf32, #tpu.memory_space<vmem>>) dst(%dma_wait3A_295 : memref<16x1024xf32, #tpu.memory_space<hbm>>)
      %mul3A_296 = arith.constant 16 : i32
      %mul3A_297 = arith.muli %add3A_86, %mul3A_296 : i32
      %dma_start3A_298 = arith.constant 2 : i32
      %dma_start3A_299 = tpu.memref_slice %arg6[%dma_start3A_298, %mul3A_297] : memref<4x128xi32, #tpu.memory_space<vmem>> -> memref<1x16xi32, #tpu.memory_space<vmem>>
      %dma_start3A_300 = tpu.memref_squeeze %dma_start3A_299 : memref<1x16xi32, #tpu.memory_space<vmem>> -> memref<16xi32, #tpu.memory_space<vmem>>
      %dma_start3A_301 = arith.constant 0 : i32
      %dma_start3A_302 = arith.constant 0 : i32
      %dma_start3A_303 = tpu.memref_slice %arg3[%dma_start3A_301, %dma_start3A_302] : memref<100000x1024xf32, #tpu.memory_space<hbm>> -> memref<100000x1024xf32, #tpu.memory_space<hbm>>
      tpu.enqueue_indirect_dma source(%dma_start3A_303 : memref<100000x1024xf32, #tpu.memory_space<hbm>>) target(%arg9 : memref<16x1024xf32, #tpu.memory_space<vmem>>) offsets(%dma_start3A_300 : memref<16xi32, #tpu.memory_space<vmem>>) semaphore(%arg15 : memref<!tpu.dma_semaphore, #tpu.memory_space<semaphore_mem>>)
      %dma_wait3A_304 = arith.constant 1 : i32
      %dma_wait3A_305 = arith.constant 0 : i32
      %dma_wait3A_306 = tpu.memref_slice %arg6[%dma_wait3A_304, %dma_wait3A_305] : memref<4x128xi32, #tpu.memory_space<vmem>> -> memref<1x16xi32, #tpu.memory_space<vmem>>
      %dma_wait3A_307 = tpu.memref_squeeze %dma_wait3A_306 : memref<1x16xi32, #tpu.memory_space<vmem>> -> memref<16xi32, #tpu.memory_space<vmem>>
      %dma_wait3A_308 = arith.constant 0 : i32
      %dma_wait3A_309 = arith.constant 0 : i32
      %dma_wait3A_310 = tpu.memref_slice %arg3[%dma_wait3A_308, %dma_wait3A_309] : memref<100000x1024xf32, #tpu.memory_space<hbm>> -> memref<100000x1024xf32, #tpu.memory_space<hbm>>
      tpu.wait_indirect_dma semaphore(%arg14 : memref<!tpu.dma_semaphore, #tpu.memory_space<semaphore_mem>>) src(%dma_wait3A_310 : memref<100000x1024xf32, #tpu.memory_space<hbm>>) dst(%arg8 : memref<16x1024xf32, #tpu.memory_space<vmem>>)
      %parallel_loop3A_311 = arith.constant 0 : i32
      %parallel_loop3A_312 = arith.constant 1024 : i32
      %parallel_loop3A_313 = arith.constant 1 : i32
      scf.for %parallel_loop3A_362 = %parallel_loop3A_311 to %parallel_loop3A_312 step %parallel_loop3A_313  : i32 {
        %parallel_loop3A_363 = arith.constant 6 : i32
        %parallel_loop3A_364 = arith.shrui %parallel_loop3A_362, %parallel_loop3A_363 : i32
        %parallel_loop3A_365 = arith.constant 63 : i32
        %parallel_loop3A_366 = arith.andi %parallel_loop3A_362, %parallel_loop3A_365 : i32
        %parallel_loop3A_367 = arith.constant 16 : i32
        %parallel_loop3A_368 = arith.muli %parallel_loop3A_366, %parallel_loop3A_367 : i32
        %parallel_loop3A_369 = arith.index_cast %parallel_loop3A_364 : i32 to index
        %parallel_loop3A_370 = arith.index_cast %parallel_loop3A_368 : i32 to index
        %parallel_loop3A_371 = tpu.vector_load %arg12[%parallel_loop3A_369, %parallel_loop3A_370] {strides = array<i32>} : memref<16x1024xf32, #tpu.memory_space<vmem>>, vector<1x16xf32>,
        %parallel_loop3A_372 = vector.shape_cast %parallel_loop3A_371 : vector<1x16xf32> to vector<16xf32>
        %parallel_loop3A_373 = arith.index_cast %parallel_loop3A_364 : i32 to index
        %parallel_loop3A_374 = arith.index_cast %parallel_loop3A_368 : i32 to index
        %parallel_loop3A_375 = tpu.vector_load %arg8[%parallel_loop3A_373, %parallel_loop3A_374] {strides = array<i32>} : memref<16x1024xf32, #tpu.memory_space<vmem>>, vector<1x16xf32>,
        %parallel_loop3A_376 = vector.shape_cast %parallel_loop3A_375 : vector<1x16xf32> to vector<16xf32>
        %parallel_loop3A_377 = vector.shape_cast %parallel_loop3A_372 : vector<16xf32> to vector<1x16xf32>
        tpu.vector_store %arg8[%parallel_loop3A_373, %parallel_loop3A_374], %parallel_loop3A_377 {add = true, strides = array<i32>} : memref<16x1024xf32, #tpu.memory_space<vmem>>, vector<1x16xf32>,
      } {sc.loop_unroll_factor = 8 : i64, sc.parallel_access}
      %mul3A_314 = arith.constant 16 : i32
      %mul3A_315 = arith.muli %add3A_86, %mul3A_314 : i32
      %add3A_316 = arith.addi %mul3A_2, %mul3A_315 : i32
      %dma_start3A_317 = arith.constant 1 : i32
      %dma_start3A_318 = arith.constant 0 : i32
      %dma_start3A_319 = tpu.memref_slice %arg5[%dma_start3A_317, %add3A_316, %dma_start3A_318] : memref<4x4096x1024xf32, #tpu.memory_space<hbm>> -> memref<1x16x1024xf32, #tpu.memory_space<hbm>>
      %dma_start3A_320 = tpu.memref_squeeze %dma_start3A_319 : memref<1x16x1024xf32, #tpu.memory_space<hbm>> -> memref<16x1024xf32, #tpu.memory_space<hbm>>
      %dma_start3A_321 = arith.constant 0 : i32
      %dma_start3A_322 = tpu.memref_slice %arg5[%dma_start3A_317, %add3A_316, %dma_start3A_321] : memref<4x4096x1024xf32, #tpu.memory_space<hbm>> -> memref<1x16x1024xf32, #tpu.memory_space<hbm>>
      %dma_start3A_323 = tpu.memref_squeeze %dma_start3A_322 : memref<1x16x1024xf32, #tpu.memory_space<hbm>> -> memref<16x1024xf32, #tpu.memory_space<hbm>>
      tpu.enqueue_dma source(%arg8 : memref<16x1024xf32, #tpu.memory_space<vmem>>) target(%dma_start3A_323 : memref<16x1024xf32, #tpu.memory_space<hbm>>) target_semaphore(%arg18 : memref<!tpu.dma_semaphore, #tpu.memory_space<semaphore_mem>>)
      %dma_wait3A_324 = arith.constant 0 : i32
      %dma_wait3A_325 = arith.constant 0 : i32
      %dma_wait3A_326 = arith.constant 0 : i32
      %dma_wait3A_327 = tpu.memref_slice %arg5[%dma_wait3A_324, %dma_wait3A_325, %dma_wait3A_326] : memref<4x4096x1024xf32, #tpu.memory_space<hbm>> -> memref<1x16x1024xf32, #tpu.memory_space<hbm>>
      %dma_wait3A_328 = tpu.memref_squeeze %dma_wait3A_327 : memref<1x16x1024xf32, #tpu.memory_space<hbm>> -> memref<16x1024xf32, #tpu.memory_space<hbm>>
      %dma_wait3A_329 = arith.constant 0 : i32
      %dma_wait3A_330 = arith.constant 0 : i32
      %dma_wait3A_331 = tpu.memref_slice %arg5[%dma_wait3A_324, %dma_wait3A_329, %dma_wait3A_330] : memref<4x4096x1024xf32, #tpu.memory_space<hbm>> -> memref<1x16x1024xf32, #tpu.memory_space<hbm>>
      %dma_wait3A_332 = tpu.memref_squeeze %dma_wait3A_331 : memref<1x16x1024xf32, #tpu.memory_space<hbm>> -> memref<16x1024xf32, #tpu.memory_space<hbm>>
      tpu.wait_dma2 semaphore(%arg20 : memref<!tpu.dma_semaphore, #tpu.memory_space<semaphore_mem>>) src(%arg10 : memref<16x1024xf32, #tpu.memory_space<vmem>>) dst(%dma_wait3A_332 : memref<16x1024xf32, #tpu.memory_space<hbm>>)
      %mul3A_333 = arith.constant 16 : i32
      %mul3A_334 = arith.muli %add3A_86, %mul3A_333 : i32
      %dma_start3A_335 = arith.constant 3 : i32
      %dma_start3A_336 = tpu.memref_slice %arg6[%dma_start3A_335, %mul3A_334] : memref<4x128xi32, #tpu.memory_space<vmem>> -> memref<1x16xi32, #tpu.memory_space<vmem>>
      %dma_start3A_337 = tpu.memref_squeeze %dma_start3A_336 : memref<1x16xi32, #tpu.memory_space<vmem>> -> memref<16xi32, #tpu.memory_space<vmem>>
      %dma_start3A_338 = arith.constant 0 : i32
      %dma_start3A_339 = arith.constant 0 : i32
      %dma_start3A_340 = tpu.memref_slice %arg3[%dma_start3A_338, %dma_start3A_339] : memref<100000x1024xf32, #tpu.memory_space<hbm>> -> memref<100000x1024xf32, #tpu.memory_space<hbm>>
      tpu.enqueue_indirect_dma source(%dma_start3A_340 : memref<100000x1024xf32, #tpu.memory_space<hbm>>) target(%arg10 : memref<16x1024xf32, #tpu.memory_space<vmem>>) offsets(%dma_start3A_337 : memref<16xi32, #tpu.memory_space<vmem>>) semaphore(%arg16 : memref<!tpu.dma_semaphore, #tpu.memory_space<semaphore_mem>>)
      %dma_wait3A_341 = arith.constant 2 : i32
      %dma_wait3A_342 = arith.constant 0 : i32
      %dma_wait3A_343 = tpu.memref_slice %arg6[%dma_wait3A_341, %dma_wait3A_342] : memref<4x128xi32, #tpu.memory_space<vmem>> -> memref<1x16xi32, #tpu.memory_space<vmem>>
      %dma_wait3A_344 = tpu.memref_squeeze %dma_wait3A_343 : memref<1x16xi32, #tpu.memory_space<vmem>> -> memref<16xi32, #tpu.memory_space<vmem>>
      %dma_wait3A_345 = arith.constant 0 : i32
      %dma_wait3A_346 = arith.constant 0 : i32
      %dma_wait3A_347 = tpu.memref_slice %arg3[%dma_wait3A_345, %dma_wait3A_346] : memref<100000x1024xf32, #tpu.memory_space<hbm>> -> memref<100000x1024xf32, #tpu.memory_space<hbm>>
      tpu.wait_indirect_dma semaphore(%arg15 : memref<!tpu.dma_semaphore, #tpu.memory_space<semaphore_mem>>) src(%dma_wait3A_347 : memref<100000x1024xf32, #tpu.memory_space<hbm>>) dst(%arg9 : memref<16x1024xf32, #tpu.memory_space<vmem>>)
      %parallel_loop3A_348 = arith.constant 0 : i32
      %parallel_loop3A_349 = arith.constant 1024 : i32
      %parallel_loop3A_350 = arith.constant 1 : i32
      scf.for %parallel_loop3A_362 = %parallel_loop3A_348 to %parallel_loop3A_349 step %parallel_loop3A_350  : i32 {
        %parallel_loop3A_363 = arith.constant 6 : i32
        %parallel_loop3A_364 = arith.shrui %parallel_loop3A_362, %parallel_loop3A_363 : i32
        %parallel_loop3A_365 = arith.constant 63 : i32
        %parallel_loop3A_366 = arith.andi %parallel_loop3A_362, %parallel_loop3A_365 : i32
        %parallel_loop3A_367 = arith.constant 16 : i32
        %parallel_loop3A_368 = arith.muli %parallel_loop3A_366, %parallel_loop3A_367 : i32
        %parallel_loop3A_369 = arith.index_cast %parallel_loop3A_364 : i32 to index
        %parallel_loop3A_370 = arith.index_cast %parallel_loop3A_368 : i32 to index
        %parallel_loop3A_371 = tpu.vector_load %arg12[%parallel_loop3A_369, %parallel_loop3A_370] {strides = array<i32>} : memref<16x1024xf32, #tpu.memory_space<vmem>>, vector<1x16xf32>,
        %parallel_loop3A_372 = vector.shape_cast %parallel_loop3A_371 : vector<1x16xf32> to vector<16xf32>
        %parallel_loop3A_373 = arith.index_cast %parallel_loop3A_364 : i32 to index
        %parallel_loop3A_374 = arith.index_cast %parallel_loop3A_368 : i32 to index
        %parallel_loop3A_375 = tpu.vector_load %arg9[%parallel_loop3A_373, %parallel_loop3A_374] {strides = array<i32>} : memref<16x1024xf32, #tpu.memory_space<vmem>>, vector<1x16xf32>,
        %parallel_loop3A_376 = vector.shape_cast %parallel_loop3A_375 : vector<1x16xf32> to vector<16xf32>
        %parallel_loop3A_377 = vector.shape_cast %parallel_loop3A_372 : vector<16xf32> to vector<1x16xf32>
        tpu.vector_store %arg9[%parallel_loop3A_373, %parallel_loop3A_374], %parallel_loop3A_377 {add = true, strides = array<i32>} : memref<16x1024xf32, #tpu.memory_space<vmem>>, vector<1x16xf32>,
      } {sc.loop_unroll_factor = 8 : i64, sc.parallel_access}
      %mul3A_351 = arith.constant 16 : i32
      %mul3A_352 = arith.muli %add3A_86, %mul3A_351 : i32
      %add3A_353 = arith.addi %mul3A_2, %mul3A_352 : i32
      %dma_start3A_354 = arith.constant 2 : i32
      %dma_start3A_355 = arith.constant 0 : i32
      %dma_start3A_356 = tpu.memref_slice %arg5[%dma_start3A_354, %add3A_353, %dma_start3A_355] : memref<4x4096x1024xf32, #tpu.memory_space<hbm>> -> memref<1x16x1024xf32, #tpu.memory_space<hbm>>
      %dma_start3A_357 = tpu.memref_squeeze %dma_start3A_356 : memref<1x16x1024xf32, #tpu.memory_space<hbm>> -> memref<16x1024xf32, #tpu.memory_space<hbm>>
      %dma_start3A_358 = arith.constant 0 : i32
      %dma_start3A_359 = tpu.memref_slice %arg5[%dma_start3A_354, %add3A_353, %dma_start3A_358] : memref<4x4096x1024xf32, #tpu.memory_space<hbm>> -> memref<1x16x1024xf32, #tpu.memory_space<hbm>>
      %dma_start3A_360 = tpu.memref_squeeze %dma_start3A_359 : memref<1x16x1024xf32, #tpu.memory_space<hbm>> -> memref<16x1024xf32, #tpu.memory_space<hbm>>
      tpu.enqueue_dma source(%arg9 : memref<16x1024xf32, #tpu.memory_space<vmem>>) target(%dma_start3A_360 : memref<16x1024xf32, #tpu.memory_space<hbm>>) target_semaphore(%arg19 : memref<!tpu.dma_semaphore, #tpu.memory_space<semaphore_mem>>)
      %scan3A_361 = arith.constant 0 : i32
      scf.yield %scan3A_361 : i32
    }
    %scan3A_26 = arith.constant 4 : i32
    %dma_wait3A_27 = arith.constant 3 : i32
    %dma_wait3A_28 = arith.constant 0 : i32
    %dma_wait3A_29 = tpu.memref_slice %arg6[%dma_wait3A_27, %dma_wait3A_28] : memref<4x128xi32, #tpu.memory_space<vmem>> -> memref<1x16xi32, #tpu.memory_space<vmem>>
    %dma_wait3A_30 = tpu.memref_squeeze %dma_wait3A_29 : memref<1x16xi32, #tpu.memory_space<vmem>> -> memref<16xi32, #tpu.memory_space<vmem>>
    %dma_wait3A_31 = arith.constant 0 : i32
    %dma_wait3A_32 = arith.constant 0 : i32
    %dma_wait3A_33 = tpu.memref_slice %arg3[%dma_wait3A_31, %dma_wait3A_32] : memref<100000x1024xf32, #tpu.memory_space<hbm>> -> memref<100000x1024xf32, #tpu.memory_space<hbm>>
    tpu.wait_indirect_dma semaphore(%arg16 : memref<!tpu.dma_semaphore, #tpu.memory_space<semaphore_mem>>) src(%dma_wait3A_33 : memref<100000x1024xf32, #tpu.memory_space<hbm>>) dst(%arg10 : memref<16x1024xf32, #tpu.memory_space<vmem>>)
    %parallel_loop3A = arith.constant 0 : i32
    %parallel_loop3A_34 = arith.constant 1024 : i32
    %parallel_loop3A_35 = arith.constant 1 : i32
    scf.for %parallel_loop3A_81 = %parallel_loop3A to %parallel_loop3A_34 step %parallel_loop3A_35  : i32 {
      %parallel_loop3A_82 = arith.constant 6 : i32
      %parallel_loop3A_83 = arith.shrui %parallel_loop3A_81, %parallel_loop3A_82 : i32
      %parallel_loop3A_84 = arith.constant 63 : i32
      %parallel_loop3A_85 = arith.andi %parallel_loop3A_81, %parallel_loop3A_84 : i32
      %parallel_loop3A_86 = arith.constant 16 : i32
      %parallel_loop3A_87 = arith.muli %parallel_loop3A_85, %parallel_loop3A_86 : i32
      %parallel_loop3A_88 = arith.index_cast %parallel_loop3A_83 : i32 to index
      %parallel_loop3A_89 = arith.index_cast %parallel_loop3A_87 : i32 to index
      %parallel_loop3A_90 = tpu.vector_load %arg12[%parallel_loop3A_88, %parallel_loop3A_89] {strides = array<i32>} : memref<16x1024xf32, #tpu.memory_space<vmem>>, vector<1x16xf32>,
      %parallel_loop3A_91 = vector.shape_cast %parallel_loop3A_90 : vector<1x16xf32> to vector<16xf32>
      %parallel_loop3A_92 = arith.index_cast %parallel_loop3A_83 : i32 to index
      %parallel_loop3A_93 = arith.index_cast %parallel_loop3A_87 : i32 to index
      %parallel_loop3A_94 = tpu.vector_load %arg10[%parallel_loop3A_92, %parallel_loop3A_93] {strides = array<i32>} : memref<16x1024xf32, #tpu.memory_space<vmem>>, vector<1x16xf32>,
      %parallel_loop3A_95 = vector.shape_cast %parallel_loop3A_94 : vector<1x16xf32> to vector<16xf32>
      %parallel_loop3A_96 = vector.shape_cast %parallel_loop3A_91 : vector<16xf32> to vector<1x16xf32>
      tpu.vector_store %arg10[%parallel_loop3A_92, %parallel_loop3A_93], %parallel_loop3A_96 {add = true, strides = array<i32>} : memref<16x1024xf32, #tpu.memory_space<vmem>>, vector<1x16xf32>,
    } {sc.loop_unroll_factor = 8 : i64, sc.parallel_access}
    %add3A_36 = arith.constant 112 : i32
    %add3A_37 = arith.addi %mul3A_2, %add3A_36 : i32
    %dma_start3A_38 = arith.constant 3 : i32
    %dma_start3A_39 = arith.constant 0 : i32
    %dma_start3A_40 = tpu.memref_slice %arg5[%dma_start3A_38, %add3A_37, %dma_start3A_39] : memref<4x4096x1024xf32, #tpu.memory_space<hbm>> -> memref<1x16x1024xf32, #tpu.memory_space<hbm>>
    %dma_start3A_41 = tpu.memref_squeeze %dma_start3A_40 : memref<1x16x1024xf32, #tpu.memory_space<hbm>> -> memref<16x1024xf32, #tpu.memory_space<hbm>>
    %dma_start3A_42 = arith.constant 0 : i32
    %dma_start3A_43 = tpu.memref_slice %arg5[%dma_start3A_38, %add3A_37, %dma_start3A_42] : memref<4x4096x1024xf32, #tpu.memory_space<hbm>> -> memref<1x16x1024xf32, #tpu.memory_space<hbm>>
    %dma_start3A_44 = tpu.memref_squeeze %dma_start3A_43 : memref<1x16x1024xf32, #tpu.memory_space<hbm>> -> memref<16x1024xf32, #tpu.memory_space<hbm>>
    tpu.enqueue_dma source(%arg10 : memref<16x1024xf32, #tpu.memory_space<vmem>>) target(%dma_start3A_44 : memref<16x1024xf32, #tpu.memory_space<hbm>>) target_semaphore(%arg20 : memref<!tpu.dma_semaphore, #tpu.memory_space<semaphore_mem>>)
    %dma_wait3A_45 = arith.constant 0 : i32
    %dma_wait3A_46 = arith.constant 0 : i32
    %dma_wait3A_47 = arith.constant 0 : i32
    %dma_wait3A_48 = tpu.memref_slice %arg5[%dma_wait3A_45, %dma_wait3A_46, %dma_wait3A_47] : memref<4x4096x1024xf32, #tpu.memory_space<hbm>> -> memref<1x16x1024xf32, #tpu.memory_space<hbm>>
    %dma_wait3A_49 = tpu.memref_squeeze %dma_wait3A_48 : memref<1x16x1024xf32, #tpu.memory_space<hbm>> -> memref<16x1024xf32, #tpu.memory_space<hbm>>
    %dma_wait3A_50 = arith.constant 0 : i32
    %dma_wait3A_51 = arith.constant 0 : i32
    %dma_wait3A_52 = tpu.memref_slice %arg5[%dma_wait3A_45, %dma_wait3A_50, %dma_wait3A_51] : memref<4x4096x1024xf32, #tpu.memory_space<hbm>> -> memref<1x16x1024xf32, #tpu.memory_space<hbm>>
    %dma_wait3A_53 = tpu.memref_squeeze %dma_wait3A_52 : memref<1x16x1024xf32, #tpu.memory_space<hbm>> -> memref<16x1024xf32, #tpu.memory_space<hbm>>
    tpu.wait_dma2 semaphore(%arg17 : memref<!tpu.dma_semaphore, #tpu.memory_space<semaphore_mem>>) src(%arg7 : memref<16x1024xf32, #tpu.memory_space<vmem>>) dst(%dma_wait3A_53 : memref<16x1024xf32, #tpu.memory_space<hbm>>)
    %dma_wait3A_54 = arith.constant 0 : i32
    %dma_wait3A_55 = arith.constant 0 : i32
    %dma_wait3A_56 = arith.constant 0 : i32
    %dma_wait3A_57 = tpu.memref_slice %arg5[%dma_wait3A_54, %dma_wait3A_55, %dma_wait3A_56] : memref<4x4096x1024xf32, #tpu.memory_space<hbm>> -> memref<1x16x1024xf32, #tpu.memory_space<hbm>>
    %dma_wait3A_58 = tpu.memref_squeeze %dma_wait3A_57 : memref<1x16x1024xf32, #tpu.memory_space<hbm>> -> memref<16x1024xf32, #tpu.memory_space<hbm>>
    %dma_wait3A_59 = arith.constant 0 : i32
    %dma_wait3A_60 = arith.constant 0 : i32
    %dma_wait3A_61 = tpu.memref_slice %arg5[%dma_wait3A_54, %dma_wait3A_59, %dma_wait3A_60] : memref<4x4096x1024xf32, #tpu.memory_space<hbm>> -> memref<1x16x1024xf32, #tpu.memory_space<hbm>>
    %dma_wait3A_62 = tpu.memref_squeeze %dma_wait3A_61 : memref<1x16x1024xf32, #tpu.memory_space<hbm>> -> memref<16x1024xf32, #tpu.memory_space<hbm>>
    tpu.wait_dma2 semaphore(%arg18 : memref<!tpu.dma_semaphore, #tpu.memory_space<semaphore_mem>>) src(%arg8 : memref<16x1024xf32, #tpu.memory_space<vmem>>) dst(%dma_wait3A_62 : memref<16x1024xf32, #tpu.memory_space<hbm>>)
    %dma_wait3A_63 = arith.constant 0 : i32
    %dma_wait3A_64 = arith.constant 0 : i32
    %dma_wait3A_65 = arith.constant 0 : i32
    %dma_wait3A_66 = tpu.memref_slice %arg5[%dma_wait3A_63, %dma_wait3A_64, %dma_wait3A_65] : memref<4x4096x1024xf32, #tpu.memory_space<hbm>> -> memref<1x16x1024xf32, #tpu.memory_space<hbm>>
    %dma_wait3A_67 = tpu.memref_squeeze %dma_wait3A_66 : memref<1x16x1024xf32, #tpu.memory_space<hbm>> -> memref<16x1024xf32, #tpu.memory_space<hbm>>
    %dma_wait3A_68 = arith.constant 0 : i32
    %dma_wait3A_69 = arith.constant 0 : i32
    %dma_wait3A_70 = tpu.memref_slice %arg5[%dma_wait3A_63, %dma_wait3A_68, %dma_wait3A_69] : memref<4x4096x1024xf32, #tpu.memory_space<hbm>> -> memref<1x16x1024xf32, #tpu.memory_space<hbm>>
    %dma_wait3A_71 = tpu.memref_squeeze %dma_wait3A_70 : memref<1x16x1024xf32, #tpu.memory_space<hbm>> -> memref<16x1024xf32, #tpu.memory_space<hbm>>
    tpu.wait_dma2 semaphore(%arg19 : memref<!tpu.dma_semaphore, #tpu.memory_space<semaphore_mem>>) src(%arg9 : memref<16x1024xf32, #tpu.memory_space<vmem>>) dst(%dma_wait3A_71 : memref<16x1024xf32, #tpu.memory_space<hbm>>)
    %dma_wait3A_72 = arith.constant 0 : i32
    %dma_wait3A_73 = arith.constant 0 : i32
    %dma_wait3A_74 = arith.constant 0 : i32
    %dma_wait3A_75 = tpu.memref_slice %arg5[%dma_wait3A_72, %dma_wait3A_73, %dma_wait3A_74] : memref<4x4096x1024xf32, #tpu.memory_space<hbm>> -> memref<1x16x1024xf32, #tpu.memory_space<hbm>>
    %dma_wait3A_76 = tpu.memref_squeeze %dma_wait3A_75 : memref<1x16x1024xf32, #tpu.memory_space<hbm>> -> memref<16x1024xf32, #tpu.memory_space<hbm>>
    %dma_wait3A_77 = arith.constant 0 : i32
    %dma_wait3A_78 = arith.constant 0 : i32
    %dma_wait3A_79 = tpu.memref_slice %arg5[%dma_wait3A_72, %dma_wait3A_77, %dma_wait3A_78] : memref<4x4096x1024xf32, #tpu.memory_space<hbm>> -> memref<1x16x1024xf32, #tpu.memory_space<hbm>>
    %dma_wait3A_80 = tpu.memref_squeeze %dma_wait3A_79 : memref<1x16x1024xf32, #tpu.memory_space<hbm>> -> memref<16x1024xf32, #tpu.memory_space<hbm>>
    tpu.wait_dma2 semaphore(%arg20 : memref<!tpu.dma_semaphore, #tpu.memory_space<semaphore_mem>>) src(%arg10 : memref<16x1024xf32, #tpu.memory_space<vmem>>) dst(%dma_wait3A_80 : memref<16x1024xf32, #tpu.memory_space<hbm>>)
    return
  }
}

</mosaic_0001>

<sc_bundles>
// kernel: kernel.3.cloned.1.call-start
scs
__scs_entry_jumppad:
0x0: {  	(pc) =	sbr.rel $0x88, $3  }
0x1: {  	(tag) =	ssettag $0x0;
	lr =	simm.s32 $0x1  }
0x2: {  	[smem:$0x3F9E] =	sst lr;
	_ =	strace $0xD0000000  }
0x3: {  	_ = 	snop  }
0x4: {  	_ = 	snop  }
0x5: {  	_ = 	snop  }
0x6: {  	_ = 	snop  }
0x7: {  	_ = 	snop  }
__scs_overlays_trampoline_lowered:
0x8: {  	[smem:$0x3FAD] =	sst s0  }
0x9: {  	[smem:$0x3FAE] =	sst s1  }
0xa: {  	[smem:$0x3FAF] =	sst s2  }
0xb: {  	[smem:$0x3FB0] =	sst s3  }
0xc: {  	[smem:$0x3FB1] =	sst s4  }
0xd: {  	[smem:$0x3FB2] =	sst s5  }
0xe: {  	[smem:$0x3FB3] =	sst s6  }
0xf: {  	[smem:$0x3FB4] =	sst s7  }
0x10: {  	[smem:$0x3FB5] =	sst s8  }
0x11: {  	[smem:$0x3FB6] =	sst s9;
	s0 =	simm.s32 @!p0 $0x0  }
0x12: {  	s1 =	sld [smem:$0x3F9C];
	s0 =	simm.s32 @p0 $0x1  }
0x13: {  	[smem:$0x3FB7] =	sst s0;
	s0 =	simm.s32 @!p1 $0x0  }
0x14: {  	s2 =	sld [smem:$0x3F9B];
	s0 =	simm.s32 @p1 $0x1  }
0x15: {  	[smem:$0x3FB8] =	sst s0;
	s0 =	simm.s32 @!p2 $0x0  }
0x16: {  	s3 =	sld [smem:$0x3FDB];
	s0 =	simm.s32 @p2 $0x1  }
0x17: {  	s4 =	simm.s32 $0x1BF5;
	[smem:$0x3FBA] =	sst s0  }
0x18: {  	s0 =	sld [smem:$0x3F9D];
	_ =	swait.ge [sflag:s4], $0x0  }
0x19: {  	s7 =	sld [smem:$0x3F9E]  }
0x1a: {  	s8 =	sadd.s32 $0xFFFFE003, lr  }
0x1b: {  	s9 =	sadd.s32 $0xFFFFFEF7, lr;
	s5 =	simm.s32 $0xFFFFFFFF;
	p2 =	slt.u32 s8, $0xFFFFF086  }
0x1c: {  	p1 =	slt.u32 s9, $0xF7A;
	s5 =	simm.s32 @!p2 $0x0  }
0x1d: {  	s5 =	simm.s32 @p1 $0x1;
	p0 =	seq.s32 s7, s2  }
0x1e: {  	s7 =	smul.u32 @!p0 $0xF7A, s2;
	p2 =	seq.s32 @!p0 s5, $0x0  }
0x1f: {  	s9 =	smul.u32 $0xF7A, s1;
	s8 =	simm.s32 @!p0 $0x1BF5;
	p2 =	por !p2, p0  }
0x20: {  	[sflag:s8] =	ssyncset.s32 @!p0 $0xFFFFF086;
	s6 =	sadd.s32 @!p0 s3, s7;
	s7 =	simm.s32 @!p0 $0x108  }
0x21: {  	s3 =	sadd.s32 s3, s9;
	s6 =	sadd.s32 @!p0 $0x88, s6;
	s7 =	simm.s32 @p2 $0x1082  }
0x22: {  	[simem:s7], [sflag:s8] =	dma.local @!p0 [hbm:s6], $0xF7A  }
0x23: {  	s9 =	sor.u32 $0xD0000000, s2;
	s6 =	simm.s32 $0x108;
	_ =	swait.ge @!p0 [sflag:s8], $0x0  }
0x24: {  	s3 =	sadd.s32 $0x88, s3;
	s6 =	simm.s32 @!p1 $0x1082;
	[sflag:s4] =	ssyncset.s32 $0xFFFFF086  }
0x25: {  	[simem:s6], [sflag:s4] =	dma.local [hbm:s3], $0xF7A  }
0x26: {  	[smem:$0x3F9E] =	sst s1;
	(tag) =	ssettag s2;
	_ =	strace s9  }
0x27: {  	s1 =	sld [smem:$0x3FAE]  }
0x28: {  	s2 =	sld [smem:$0x3FAF]  }
0x29: {  	s4 =	sld [smem:$0x3FB1]  }
0x2a: {  	p0 =	seq.s32 s5, $0x0;
	s5 =	sld [smem:$0x3FB2]  }
0x2b: {  	s6 =	sld [smem:$0x3FB3]  }
0x2c: {  	s7 =	sld [smem:$0x3FB4]  }
0x2d: {  	s3 =	simm.s32 $0x108;
	s8 =	sld [smem:$0x3FB5]  }
0x2e: {  	s3 =	simm.s32 @!p0 $0x1082;
	s9 =	sld [smem:$0x3FB6]  }
0x2f: {  	lr =	sadd.s32 s0, s3;
	s0 =	sld [smem:$0x3FAD]  }
0x30: {  	s3 =	sld [smem:$0x3FB0]  }
0x31: {  	[smem:$0x3FB9] =	sst s10  }
0x32: {  	s10 =	sld [smem:$0x3FB7];
	_ =	sdelay $0x3  }
0x33: {  	p0 =	seq.s32 s10, $0x1;
	s10 =	sld [smem:$0x3FB9];
	_ =	sdelay $0x3  }
0x34: {  	[smem:$0x3FB9] =	sst s10  }
0x35: {  	s10 =	sld [smem:$0x3FB8];
	_ =	sdelay $0x3  }
0x36: {  	p1 =	seq.s32 s10, $0x1;
	s10 =	sld [smem:$0x3FB9];
	_ =	sdelay $0x3  }
0x37: {  	[smem:$0x3FB9] =	sst s10  }
0x38: {  	s10 =	sld [smem:$0x3FBA]  }
0x39: {  	_ = 	snop;
	(pc) =	sbr.ind lr, $3  }
0x3a: {  	_ = 	snop  }
0x3b: {  	_ = 	snop  }
0x3c: {  	p2 =	seq.s32 s10, $0x1;
	s10 =	sld [smem:$0x3FB9]  }
0x3d: {  	_ =	shalt  }
0x3e: {  	_ =	shalt  }
0x3f: {  	_ =	shalt  }
0x40: {  	_ =	shalt  }
0x41: {  	_ =	shalt  }
0x42: {  	_ =	shalt  }
0x43: {  	_ =	shalt  }
0x44: {  	_ =	shalt  }
0x45: {  	_ =	shalt  }
0x46: {  	_ =	shalt  }
0x47: {  	_ =	shalt  }
0x48: {  	_ =	shalt  }
0x49: {  	_ =	shalt  }
0x4a: {  	_ =	shalt  }
0x4b: {  	_ =	shalt  }
0x4c: {  	_ =	shalt  }
0x4d: {  	_ =	shalt  }
0x4e: {  	_ =	shalt  }
0x4f: {  	_ =	shalt  }
0x50: {  	_ =	shalt  }
0x51: {  	_ =	shalt  }
0x52: {  	_ =	shalt  }
0x53: {  	_ =	shalt  }
0x54: {  	_ =	shalt  }
0x55: {  	_ =	shalt  }
0x56: {  	_ =	shalt  }
0x57: {  	_ =	shalt  }
0x58: {  	_ =	shalt  }
0x59: {  	_ =	shalt  }
0x5a: {  	_ =	shalt  }
0x5b: {  	_ =	shalt  }
0x5c: {  	_ =	shalt  }
0x5d: {  	_ =	shalt  }
0x5e: {  	_ =	shalt  }
0x5f: {  	_ =	shalt  }
0x60: {  	_ =	shalt  }
0x61: {  	_ =	shalt  }
0x62: {  	_ =	shalt  }
0x63: {  	_ =	shalt  }
0x64: {  	_ =	shalt  }
0x65: {  	_ =	shalt  }
0x66: {  	_ =	shalt  }
0x67: {  	_ =	shalt  }
0x68: {  	_ =	shalt  }
0x69: {  	_ =	shalt  }
0x6a: {  	_ =	shalt  }
0x6b: {  	_ =	shalt  }
0x6c: {  	_ =	shalt  }
0x6d: {  	_ =	shalt  }
0x6e: {  	_ =	shalt  }
0x6f: {  	_ =	shalt  }
0x70: {  	_ =	shalt  }
0x71: {  	_ =	shalt  }
0x72: {  	_ =	shalt  }
0x73: {  	_ =	shalt  }
0x74: {  	_ =	shalt  }
0x75: {  	_ =	shalt  }
0x76: {  	_ =	shalt  }
0x77: {  	_ =	shalt  }
0x78: {  	_ =	shalt  }
0x79: {  	_ =	shalt  }
0x7a: {  	_ =	shalt  }
0x7b: {  	_ =	shalt  }
0x7c: {  	_ =	shalt  }
0x7d: {  	_ =	shalt  }
0x7e: {  	_ =	shalt  }
0x7f: {  	_ =	shalt  }
0x80: {  	_ =	shalt  }
0x81: {  	_ =	shalt  }
0x82: {  	_ =	shalt  }
0x83: {  	_ =	shalt  }
0x84: {  	_ =	shalt  }
0x85: {  	_ =	shalt  }
0x86: {  	_ =	shalt  }
0x87: {  	_ =	shalt  }
.Lfunc_end0:
.L_simem_size_0:
called_computation_lowered:
.L_overlay_start_0:
0x88: {  	s2 =	sld [smem:$0x3FD9]  }
0x89: {  	s3 =	sld [smem:$0x3FFE];
	_ =	sdelay $0x1  }
0x8a: {  	s1 =	srdreg.scid  }
0x8b: {  	s0 =	sand.u32 $0x1, s1  }
0x8c: {  	s18 =	sshll.u32 s0, $0xA;
	s2 =	sadd.s32 s3, s2  }
0x8d: {  	s2 =	sadd.s32 s2, s18  }
0x8e: {  	[smem:$0x3FC5] =	sst s2  }
0x8f: {  	_ = 	snop  }
0x90: {  	s2 =	sld [smem:$0x3FC9]  }
0x91: {  	s19 =	sld [smem:$0x3FC8]  }
0x92: {  	s4 =	sld [smem:$0x3FC7]  }
0x93: {  	s5 =	sld [smem:$0x3FD0];
	(tm) =	ssettm $0x1  }
0x94: {  	s6 =	sld [smem:$0x3FFB];
	_ =	sdelay $0x3  }
0x95: {  	_ =	strace s6  }
0x96: {  	s6 =	sld [smem:$0x3FFC];
	_ =	sdelay $0x3  }
0x97: {  	_ =	strace s6  }
0x98: {  	s6 =	sld [smem:$0x3FFD];
	_ =	sdelay $0x3  }
0x99: {  	_ =	strace s6  }
0x9a: {  	_ =	strace $0x8FFFFFFF  }
0x9b: {  	s20 =	sld [smem:$0x3FDB];
	_ =	sdelay $0x1  }
0x9c: {  	s7 =	simm.s32 $_scs_section_size  }
0x9d: {  	s8 =	simm.s32 $_size__tile_overlayer_lowered;
	s9 =	simm.s32 $_tile_overlayer_lowered  }
0x9e: {  	s23 =	simm.s32 $0x1BFF;
	s22 =	sshll.u32 s9, $0x1;
	s6 =	sadd.s32 s7, s20  }
0x9f: {  	s10 =	simm.s32 $0x0;
	s21 =	sshll.u32 s8, $0x1;
	s8 =	sadd.s32 s22, s6  }
0xa0: {  	[timem:s10], [sflag:s23] =	dma.local [hbm:s8], s21  }
0xa1: {  	_ =	swait.ge [sflag:s23], s21  }
0xa2: {  	s7 =	ssub.s32 $0x0, s21;
	[sflag:s23] =	ssyncset.done $0x0  }
0xa3: {  	[sflag:s23] =	ssyncadd.s32 s7;
	_ =	sdelay $0x1  }
0xa4: {  	s24 =	simm.s32 $0x1B8B  }
0xa5: {  	_ =	swait.ge [sflag:s24], $0x1  }
0xa6: {  	[sflag:s24] =	ssyncset.done $0x0  }
0xa7: {  	s25 =	simm.s32 $0x1B8E;
	[sflag:s24] =	ssyncadd.s32 $0xFFFFFFFF  }
0xa8: {  	s26 =	simm.s32 $execute0_lowered;
	[smem:$0x3FD2] =	sst s25  }
0xa9: {  	s7 =	sshll.u32 s26, $0x1;
	_ =	strace $0x80000046;
	[dreg:$0x1] =	wrdreg $0xFFFFFFFF  }
0xaa: {  	s28 =	simm.s32 $_size_execute0_lowered;
	s6 =	sadd.s32 s6, s7;
	[dreg:$0x0] =	wrdreg $0x0  }
0xab: {  	s7 =	sshll.u32 s28, $0x1;
	[dreg:$0x2] =	wrdreg s6  }
0xac: {  	[dreg:$0x3] =	wrdreg s7  }
0xad: {  	[dreg:$0x4] =	wrdreg $0xC0  }
0xae: {  	_ =	task [dreg:s10], $0x5FFFF  }
0xaf: {  	[dreg:$0x1] =	wrdreg $0xFFFFFFFF  }
0xb0: {  	[dreg:$0x0] =	wrdreg $0x60  }
0xb1: {  	[dreg:$0x2] =	wrdreg s2  }
0xb2: {  	[dreg:$0x3] =	wrdreg s19  }
0xb3: {  	[dreg:$0x4] =	wrdreg s4  }
0xb4: {  	[dreg:$0x5] =	wrdreg s5  }
0xb5: {  	[dreg:$0x6] =	wrdreg $0x9  }
0xb6: {  	_ =	task.clear_ibuf [dreg:s10], $0x7FFFF;
	_ =	strace $0x90000046  }
0xb7: {  	s29 =	simm.s32 $0x9;
	_ =	strace $0x80000048  }
0xb8: {  	_ =	swait.ge [sflag:s29], $0x1  }
0xb9: {  	[sflag:s29] =	ssyncadd.s32 $0xFFFFFFFF  }
0xba: {  	_ =	strace $0x90000048  }
0xbb: {  	_ =	sfence  }
0xbc: {  	s30 =	sld [smem:$0x0];
	_ =	sdelay $0x2  }
0xbd: {  	s31 =	sshll.u32 s1, $0xD;
	s1 =	sshrl.u32 s1, $0x2  }
0xbe: {  	s3 =	sand.u32 $0x4000, s31;
	s1 =	sadd.s32 s1, s30  }
0xbf: {  	s0 =	sor.u32 s3, s0;
	s1 =	sshll.u32 s1, $0x11  }
0xc0: {  	s0 =	sor.u32 s1, s0  }
0xc1: {  	s0 =	sadd.s32 $0x8F2B, s0  }
0xc2: {  	[sflag:s0] =	ssyncadd.remote.s32 $0x1  }
0xc3: {  	_ =	sfence.sel $0xFFFF  }
0xc4: {  	[dreg:$0x0] =	wrdreg $0xFFFFFFFF;
	(pc) =	sbr.abs _section_cstart, $3  }
0xc5: {  	[dreg:$0x1] =	wrdreg $0xFFFFFFFF  }
0xc6: {  	_ =	task.clear_ibuf [dreg:s10], $0x2FFFF;
	_ =	strace $0x9FFFFFFF  }
0xc7: {  	(tm) =	ssettm $0x7FFFFFFF  }
tec
execute0_lowered:
.L_overlay_start_1:
0x0: {  	(tag) =	ssettag $0x1  }
0x1: {  	s0 =	rddreg [dreg:$0x0]  }
0x2: {  	s1 =	rddreg [dreg:$0x1]  }
0x3: {  	s9 =	rddreg [dreg:$0x2]  }
0x4: {  	s4 =	rddreg [dreg:$0x3]  }
0x5: {  	s2 =	srdreg.scid;
	s3 =	stileid.u32  }
0x6: {  	s5 =	simm.s32 $0x0;
	s21 =	simm.s32 $0x1;
	s13 =	simm.s32 $0x8200  }
0x7: {  	s28 =	simm.s32 $0x2;
	s29 =	simm.s32 $0xC200;
	s19 =	simm.s32 $0x3  }
0x8: {  	s14 =	simm.s32 $0x6;
	s17 =	simm.s32 $0x7;
	s2 =	sand.u32 $0x1, s2  }
0x9: {  	s3 =	sshll.u32 s3, $0x8;
	[smem:$0x7FF] =	sst s5;
	s10 =	sadd.s32 $0x100, s1  }
0xa: {  	s11 =	sadd.s32 $0x200, s1;
	s12 =	sadd.s32 $0x300, s1;
	s24 =	sadd.s32 $0x80000, s4  }
0xb: {  	s15 =	sadd.s32 $0x100000, s4;
	s25 =	sadd.s32 $0x180000, s4;
	s6 =	sshll.u32 s2, $0x7  }
0xc: {  	_ =	strace $0x80000047;
	s2 =	ssub.s32 $0x2, s2;
	[dreg:$0x9] =	wrdreg s24  }
0xd: {  	[dreg:$0xa] =	wrdreg s25;
	s24 =	simm.s32 $0x8;
	s6 =	sor.u32 s6, s3  }
0xe: {  	s7 =	sshrl.u32 s2, $0x1;
	s3 =	sshll.u32 s6, $0x7;
	s23 =	sadd.s32 $0xFFFFFFF0, s6  }
0xf: {  	s8 =	sshrl.u32 s6, $0x1;
	s26 =	sor.u32 $0x20, s6;
	[dreg:$0x8] =	wrdreg s23  }
0x10: {  	s2 =	ssub.s32 s2, s7;
	s0 =	sadd.s32 s0, s8;
	[dreg:$0xb] =	wrdreg s26  }
0x11: {  	s7 =	simm.s32 $0x4;
	s9 =	sadd.s32 s9, s3;
	[dreg:$0x6] =	wrdreg s0  }
0x12: {  	s30 =	sadd.s32 s3, s4;
	s31 =	smax.u32 s2, $0x1;
	[dreg:$0x5] =	wrdreg s9  }
0x13: {  	v2 =	vlaneseq.u32;
	s23 =	simm.s32 $0x200;
	s22 =	sadd.s32 $0x800, s9;
	[dreg:$0xd] =	wrdreg s31  }
0x14: {  	vm0 =	vmmov $0xffff;
	v1 =	vshrl.u32 v2, $0x3;
	s3 =	simm.s32 $0x0;
	s0 =	sadd.s32 $0x183800, s30;
	[dreg:$0x7] =	wrdreg s22  }
0x15: {  	v0 =	vand.u32 $0x7, v2;
	v2 =	vor.u32 $0x8, v2;
	v1 =	vmul.u32 $0x8, v1;
	[dreg:$0xc] =	wrdreg s0;
	s0 =	simm.s32 $0x4200;
	s22 =	simm.s32 $0x5  }
.LBB2_1:
0x16: {  	[dreg:$0xe] =	wrdreg s3  }
0x17: {  	s2 =	rddreg [dreg:$0x6]  }
0x18: {  	[tilespmem:s5], [sflag:$0xB] =	stream.linear.gather [hbm4b:s2+s5], $0x200, $0x38;
	[tilespmem:$0x18200] =	vst v63  }
0x19: {  	s20 =	rddreg [dreg:$0x5];
	s25 =	simm.s32 $0x10200  }
0x1a: {  	[tilespmem:s25], [sflag:$0x9] =	stream.linear.gather [hbm4b:s20+s5], $0x4000, $0x38;
	[tilespmem:$0x18200] =	vst v63  }
0x1b: {  	s26 =	rddreg [dreg:$0x7];
	s30 =	simm.s32 $0x14200;
	s31 =	simm.s32 $0xB  }
0x1c: {  	[tilespmem:s30], [sflag:$0xA] =	stream.linear.gather [hbm4b:s26+s5], $0x4000, $0x38;
	[tilespmem:$0x18200] =	vst v63  }
0x1d: {  	_ =	swait.ge [sflag:s31], $0x200  }
0x1e: {  	[sflag:s31] =	ssyncset.done $0x0  }
0x1f: {  	s25 =	simm.s32 $0x0;
	[sflag:s31] =	ssyncadd.s32 $0xFFFFFE00  }
.LBB2_2:
0x20: {  	p0 =	seq.s32 s25, $0x0  }
0x21: {  	s2 =	simm.s32 @!p0 $0x5  }
0x22: {  	_ =	swait.ge @!p0 [sflag:s2], $0x4000  }
0x23: {  	[sflag:s2] =	ssyncset.done @!p0 $0x0  }
0x24: {  	s26 =	sshll.u32 s25, $0x5;
	[sflag:s2] =	ssyncadd.s32 @!p0 $0xFFFFC000  }
0x25: {  	v3 =	vld [tilespmem:s26+$0x0];
	_ =	sdelay $0x4  }
0x26: {  	v4 =	vshll.u32 v3, $0x3  }
0x27: {  	v3 =	vand.u32 $0x7, v3;
	v4 =	vand.u32 $0xFFFFFFC0, v4  }
0x28: {  	v3 =	vor.u32 v3, v4  }
0x29: {  	v4 =	vperm.xlane v3, v0;
	_ =	sdelay $0x1  }
0x2a: {  	v4 =	vadd.s32 v1, v4;
	_ =	sdelay $0x4  }
0x2b: {  	[tilespmem:s23], [sflag:$0x1] =	stream.indirect_vreg.gather [hbm4b:s1+s5], $0x80, v4, vm0, $0xb8;
	[tilespmem:$0x18200] =	vst v63  }
0x2c: {  	s3 =	simm.s32 $0xA00;
	v3 =	vperm.xlane v3, v2  }
0x2d: {  	[tilespmem:s3], [sflag:$0x1] =	stream.indirect_vreg.gather [hbm4b:s10+s5], $0x80, v4, vm0, $0xb8;
	[tilespmem:$0x18200] =	vst v63  }
0x2e: {  	s8 =	simm.s32 $0x1200;
	v3 =	vadd.s32 v1, v3  }
0x2f: {  	[tilespmem:s8], [sflag:$0x1] =	stream.indirect_vreg.gather [hbm4b:s11+s5], $0x80, v4, vm0, $0xb8;
	[tilespmem:$0x18200] =	vst v63  }
0x30: {  	s9 =	simm.s32 $0x1A00  }
0x31: {  	[tilespmem:s9], [sflag:$0x1] =	stream.indirect_vreg.gather [hbm4b:s12+s5], $0x80, v4, vm0, $0xb8;
	[tilespmem:$0x18200] =	vst v63  }
0x32: {  	s16 =	simm.s32 $0x2200  }
0x33: {  	[tilespmem:s16], [sflag:$0x1] =	stream.indirect_vreg.gather [hbm4b:s1+s5], $0x80, v3, vm0, $0xb8;
	[tilespmem:$0x18200] =	vst v63  }
0x34: {  	s18 =	simm.s32 $0x2A00  }
0x35: {  	[tilespmem:s18], [sflag:$0x1] =	stream.indirect_vreg.gather [hbm4b:s10+s5], $0x80, v3, vm0, $0xb8;
	[tilespmem:$0x18200] =	vst v63  }
.Ltmp0:
0x36: {  	_ = 	snop;
	(pc) =	sbr.rel @p0 .LBB2_6-.Ltmp0, $4  }
0x37: {  	s20 =	simm.s32 $0x3200  }
0x38: {  	[tilespmem:s20], [sflag:$0x1] =	stream.indirect_vreg.gather [hbm4b:s11+s5], $0x80, v3, vm0, $0xb8;
	[tilespmem:$0x18200] =	vst v63  }
0x39: {  	s31 =	simm.s32 $0x3A00;
	s30 =	sshllo.u32 s25, $0x1  }
0x3a: {  	[tilespmem:s31], [sflag:$0x1] =	stream.indirect_vreg.gather [hbm4b:s12+s5], $0x80, v3, vm0, $0xb8;
	[tilespmem:$0x18200] =	vst v63  }
0x3b: {  	s2 =	simm.s32 $0x0  }
0x3c: {  	_ =	swait.ge [sflag:s7], $0x4000;
	s8 =	sand.u32 $0x2000, s2;
	s9 =	sand.u32 $0x1C00, s2  }
0x3d: {  	[sflag:s7] =	ssyncset.done $0x0;
	s2 =	sand.u32 $0x380, s2;
	s8 =	sor.u32 s9, s8  }
0x3e: {  	[sflag:s7] =	ssyncadd.s32 $0xFFFFC000;
	s31 =	sor.u32 s2, s8  }
0x3f: {  	v3 =	vld [tilespmem:s31+$0x14270]  }
0x40: {  	v6 =	vld [tilespmem:s31+$0x14200]  }
0x41: {  	v7 =	vld [tilespmem:s31+$0x14210]  }
0x42: {  	v8 =	vld [tilespmem:s31+$0x14220]  }
0x43: {  	v9 =	vld [tilespmem:s31+$0x14230]  }
0x44: {  	v5 =	vld [tilespmem:s31+$0x14240]  }
0x45: {  	v4 =	vld [tilespmem:s31+$0x14250]  }
0x46: {  	[tilespmem:s31+$0xC270] =	vst.add.f32.msk $0xffff, v3  }
0x47: {  	v3 =	vld [tilespmem:s31+$0x14260]  }
0x48: {  	[tilespmem:s31+$0xC200] =	vst.add.f32.msk $0xffff, v6  }
0x49: {  	[tilespmem:s31+$0xC210] =	vst.add.f32.msk $0xffff, v7  }
0x4a: {  	s20 =	simm.s32 $0x10;
	[tilespmem:s31+$0xC220] =	vst.add.f32.msk $0xffff, v8  }
0x4b: {  	s9 =	simm.s32 $0x80;
	s2 =	simm.s32 $0x0;
	s8 =	simm.s32 $0x400;
	[tilespmem:s31+$0xC230] =	vst.add.f32.msk $0xffff, v9  }
.LBB2_4:
0x4c: {  	s18 =	sand.u32 $0x2000, s9;
	s3 =	sand.u32 $0x1C00, s8;
	s2 =	sadd.s32 $0x8, s2;
	[tilespmem:s31+$0xC240] =	vst.add.f32.msk $0xffff, v5  }
0x4d: {  	s3 =	sor.u32 s3, s18;
	s18 =	sand.u32 $0x380, s20;
	p1 =	slt.u32 s2, $0x3F8;
	[tilespmem:s31+$0xC250] =	vst.add.f32.msk $0xffff, v4  }
0x4e: {  	[tilespmem:s31+$0xC260] =	vst.add.f32.msk $0xffff, v3;
	s31 =	sor.u32 s18, s3  }
0x4f: {  	v3 =	vld [tilespmem:s31+$0x14270]  }
0x50: {  	v6 =	vld [tilespmem:s31+$0x14200]  }
0x51: {  	v7 =	vld [tilespmem:s31+$0x14210]  }
0x52: {  	v8 =	vld [tilespmem:s31+$0x14220]  }
0x53: {  	v9 =	vld [tilespmem:s31+$0x14230]  }
0x54: {  	[tilespmem:s31+$0xC270] =	vst.add.f32.msk $0xffff, v3  }
0x55: {  	v5 =	vld [tilespmem:s31+$0x14240]  }
0x56: {  	v4 =	vld [tilespmem:s31+$0x14250]  }
.Ltmp1:
0x57: {  	v3 =	vld [tilespmem:s31+$0x14260];
	(pc) =	sbr.rel @p1 .LBB2_4-.Ltmp1, $4  }
0x58: {  	[tilespmem:s31+$0xC200] =	vst.add.f32.msk $0xffff, v6  }
0x59: {  	[tilespmem:s31+$0xC210] =	vst.add.f32.msk $0xffff, v7  }
0x5a: {  	[tilespmem:s31+$0xC220] =	vst.add.f32.msk $0xffff, v8  }
0x5b: {  	s8 =	sadd.s32 $0x400, s8;
	s9 =	sadd.s32 $0x80, s9;
	s20 =	sadd.s32 $0x10, s20;
	[tilespmem:s31+$0xC230] =	vst.add.f32.msk $0xffff, v9  }
0x5c: {  	s2 =	rddreg [dreg:$0x8]  }
0x5d: {  	s2 =	sadd.s32 s26, s2  }
0x5e: {  	[tilespmem:s31+$0xC240] =	vst.add.f32.msk $0xffff, v5;
	s2 =	sshll.u32 s2, $0x7  }
0x5f: {  	[tilespmem:s31+$0xC250] =	vst.add.f32.msk $0xffff, v4;
	s2 =	sand.u32 $0x1FFFFF80, s2  }
0x60: {  	[tilespmem:s31+$0xC260] =	vst.add.f32.msk $0xffff, v3;
	s2 =	sadd.s32 s4, s2  }
0x61: {  	s20 =	sshll.u32 s30, $0xB;
	s3 =	rddreg [dreg:$0x5];
	s2 =	sadd.s32 $0x180000, s2  }
0x62: {  	[hbm4b:s2+s5] =	stream.linear.scatter [tilespmem:s29], [sflag:$0x8], $0x4000, $0x38;
	[tilespmem:$0x18200] =	vst v63  }
0x63: {  	s31 =	simm.s32 $0x14200;
	s2 =	sadd.s32 s20, s3  }
0x64: {  	[tilespmem:s31], [sflag:$0xA] =	stream.linear.gather [hbm4b:s2+s5], $0x4000, $0x38;
	[tilespmem:$0x18200] =	vst v63  }
0x65: {  	_ =	swait.ge [sflag:s14], $0x4000  }
0x66: {  	[sflag:s14] =	ssyncset.done $0x0  }
0x67: {  	[sflag:s14] =	ssyncadd.s32 $0xFFFFC000  }
.LBB2_6:
0x68: {  	v3 =	vld [tilespmem:s26+$0x80];
	_ =	sdelay $0x4  }
0x69: {  	v4 =	vshll.u32 v3, $0x3  }
0x6a: {  	v3 =	vand.u32 $0x7, v3;
	v4 =	vand.u32 $0xFFFFFFC0, v4  }
0x6b: {  	v3 =	vor.u32 v3, v4  }
0x6c: {  	v4 =	vperm.xlane v3, v0;
	_ =	sdelay $0x1  }
0x6d: {  	v4 =	vadd.s32 v1, v4;
	_ =	sdelay $0x3  }
0x6e: {  	s2 =	simm.s32 $0x0  }
0x6f: {  	[tilespmem:s0], [sflag:$0x2] =	stream.indirect_vreg.gather [hbm4b:s1+s2], $0x80, v4, vm0, $0xb8;
	[tilespmem:$0x18200] =	vst v63  }
0x70: {  	s3 =	simm.s32 $0x4A00;
	v3 =	vperm.xlane v3, v2  }
0x71: {  	[tilespmem:s3], [sflag:$0x2] =	stream.indirect_vreg.gather [hbm4b:s10+s2], $0x80, v4, vm0, $0xb8;
	[tilespmem:$0x18200] =	vst v63  }
0x72: {  	s18 =	simm.s32 $0x5200;
	v3 =	vadd.s32 v1, v3  }
0x73: {  	[tilespmem:s18], [sflag:$0x2] =	stream.indirect_vreg.gather [hbm4b:s11+s2], $0x80, v4, vm0, $0xb8;
	[tilespmem:$0x18200] =	vst v63  }
0x74: {  	s20 =	simm.s32 $0x5A00  }
0x75: {  	[tilespmem:s20], [sflag:$0x2] =	stream.indirect_vreg.gather [hbm4b:s12+s2], $0x80, v4, vm0, $0xb8;
	[tilespmem:$0x18200] =	vst v63  }
0x76: {  	s8 =	simm.s32 $0x6200  }
0x77: {  	[tilespmem:s8], [sflag:$0x2] =	stream.indirect_vreg.gather [hbm4b:s1+s2], $0x80, v3, vm0, $0xb8;
	[tilespmem:$0x18200] =	vst v63  }
0x78: {  	s9 =	simm.s32 $0x6A00  }
0x79: {  	[tilespmem:s9], [sflag:$0x2] =	stream.indirect_vreg.gather [hbm4b:s10+s2], $0x80, v3, vm0, $0xb8;
	[tilespmem:$0x18200] =	vst v63  }
0x7a: {  	s16 =	simm.s32 $0x7200  }
0x7b: {  	[tilespmem:s16], [sflag:$0x2] =	stream.indirect_vreg.gather [hbm4b:s11+s2], $0x80, v3, vm0, $0xb8;
	[tilespmem:$0x18200] =	vst v63  }
0x7c: {  	s18 =	simm.s32 $0x7A00  }
0x7d: {  	[tilespmem:s18], [sflag:$0x2] =	stream.indirect_vreg.gather [hbm4b:s12+s2], $0x80, v3, vm0, $0xb8;
	[tilespmem:$0x18200] =	vst v63  }
0x7e: {  	_ =	swait.ge [sflag:s21], $0x4000  }
0x7f: {  	[sflag:s21] =	ssyncset.done $0x0  }
0x80: {  	s9 =	simm.s32 $0x9;
	[sflag:s21] =	ssyncadd.s32 $0xFFFFC000  }
0x81: {  	s20 =	sand.u32 $0x2000, s2;
	s8 =	sand.u32 $0x1C00, s2;
	_ =	swait.ge [sflag:s9], $0x4000  }
0x82: {  	s3 =	sor.u32 s8, s20;
	s2 =	sand.u32 $0x380, s2;
	[sflag:s9] =	ssyncset.done $0x0  }
0x83: {  	s2 =	sor.u32 s2, s3;
	[sflag:s9] =	ssyncadd.s32 $0xFFFFC000  }
0x84: {  	v3 =	vld [tilespmem:s2+$0x10270]  }
0x85: {  	v6 =	vld [tilespmem:s2+$0x10200]  }
0x86: {  	v7 =	vld [tilespmem:s2+$0x10210]  }
0x87: {  	v8 =	vld [tilespmem:s2+$0x10220]  }
0x88: {  	v9 =	vld [tilespmem:s2+$0x10230]  }
0x89: {  	v5 =	vld [tilespmem:s2+$0x10240]  }
0x8a: {  	v4 =	vld [tilespmem:s2+$0x10250]  }
0x8b: {  	[tilespmem:s2+$0x270] =	vst.add.f32.msk $0xffff, v3  }
0x8c: {  	v3 =	vld [tilespmem:s2+$0x10260]  }
0x8d: {  	[tilespmem:s2+$0x200] =	vst.add.f32.msk $0xffff, v6  }
0x8e: {  	[tilespmem:s2+$0x210] =	vst.add.f32.msk $0xffff, v7  }
0x8f: {  	s31 =	simm.s32 $0x0;
	[tilespmem:s2+$0x220] =	vst.add.f32.msk $0xffff, v8  }
0x90: {  	s20 =	simm.s32 $0x10;
	s8 =	simm.s32 $0x400;
	s9 =	simm.s32 $0x80;
	[tilespmem:s2+$0x230] =	vst.add.f32.msk $0xffff, v9  }
.LBB2_7:
0x91: {  	s3 =	sand.u32 $0x2000, s9;
	s18 =	sand.u32 $0x1C00, s8;
	s31 =	sadd.s32 $0x8, s31;
	[tilespmem:s2+$0x240] =	vst.add.f32.msk $0xffff, v5  }
0x92: {  	s3 =	sor.u32 s18, s3;
	s18 =	sand.u32 $0x380, s20;
	p1 =	slt.u32 s31, $0x3F8;
	[tilespmem:s2+$0x250] =	vst.add.f32.msk $0xffff, v4  }
0x93: {  	[tilespmem:s2+$0x260] =	vst.add.f32.msk $0xffff, v3;
	s2 =	sor.u32 s18, s3  }
0x94: {  	v3 =	vld [tilespmem:s2+$0x10270]  }
0x95: {  	v6 =	vld [tilespmem:s2+$0x10200]  }
0x96: {  	v7 =	vld [tilespmem:s2+$0x10210]  }
0x97: {  	v8 =	vld [tilespmem:s2+$0x10220]  }
0x98: {  	v9 =	vld [tilespmem:s2+$0x10230]  }
0x99: {  	[tilespmem:s2+$0x270] =	vst.add.f32.msk $0xffff, v3  }
0x9a: {  	v5 =	vld [tilespmem:s2+$0x10240]  }
0x9b: {  	v4 =	vld [tilespmem:s2+$0x10250]  }
.Ltmp2:
0x9c: {  	v3 =	vld [tilespmem:s2+$0x10260];
	(pc) =	sbr.rel @p1 .LBB2_7-.Ltmp2, $4  }
0x9d: {  	[tilespmem:s2+$0x200] =	vst.add.f32.msk $0xffff, v6  }
0x9e: {  	[tilespmem:s2+$0x210] =	vst.add.f32.msk $0xffff, v7  }
0x9f: {  	[tilespmem:s2+$0x220] =	vst.add.f32.msk $0xffff, v8  }
0xa0: {  	s8 =	sadd.s32 $0x400, s8;
	s9 =	sadd.s32 $0x80, s9;
	s20 =	sadd.s32 $0x10, s20;
	[tilespmem:s2+$0x230] =	vst.add.f32.msk $0xffff, v9  }
0xa1: {  	[tilespmem:s2+$0x240] =	vst.add.f32.msk $0xffff, v5;
	s3 =	sor.u32 s6, s26  }
0xa2: {  	[tilespmem:s2+$0x250] =	vst.add.f32.msk $0xffff, v4;
	s31 =	sshll.u32 s3, $0x7  }
0xa3: {  	[tilespmem:s2+$0x260] =	vst.add.f32.msk $0xffff, v3;
	s2 =	simm.s32 @!p0 $0x7;
	s9 =	sadd.s32 s4, s31  }
0xa4: {  	[hbm4b:s9+s5] =	stream.linear.scatter [tilespmem:s23], [sflag:$0x5], $0x4000, $0x38;
	[tilespmem:$0x18200] =	vst v63  }
0xa5: {  	_ =	swait.ge @!p0 [sflag:s2], $0x4000  }
0xa6: {  	[sflag:s2] =	ssyncset.done @!p0 $0x0  }
0xa7: {  	[sflag:s2] =	ssyncadd.s32 @!p0 $0xFFFFC000  }
0xa8: {  	v3 =	vld [tilespmem:s26+$0x100];
	_ =	sdelay $0x4  }
0xa9: {  	v4 =	vshll.u32 v3, $0x3  }
0xaa: {  	v3 =	vand.u32 $0x7, v3;
	v4 =	vand.u32 $0xFFFFFFC0, v4  }
0xab: {  	v3 =	vor.u32 v3, v4  }
0xac: {  	v4 =	vperm.xlane v3, v0;
	_ =	sdelay $0x1  }
0xad: {  	v4 =	vadd.s32 v1, v4;
	_ =	sdelay $0x3  }
0xae: {  	s2 =	simm.s32 $0x0  }
0xaf: {  	[tilespmem:s13], [sflag:$0x3] =	stream.indirect_vreg.gather [hbm4b:s1+s2], $0x80, v4, vm0, $0xb8;
	[tilespmem:$0x18200] =	vst v63  }
0xb0: {  	s16 =	simm.s32 $0x8A00;
	v3 =	vperm.xlane v3, v2  }
0xb1: {  	[tilespmem:s16], [sflag:$0x3] =	stream.indirect_vreg.gather [hbm4b:s10+s2], $0x80, v4, vm0, $0xb8;
	[tilespmem:$0x18200] =	vst v63  }
0xb2: {  	s18 =	simm.s32 $0x9200;
	v3 =	vadd.s32 v1, v3  }
0xb3: {  	[tilespmem:s18], [sflag:$0x3] =	stream.indirect_vreg.gather [hbm4b:s11+s2], $0x80, v4, vm0, $0xb8;
	[tilespmem:$0x18200] =	vst v63  }
0xb4: {  	s20 =	simm.s32 $0x9A00  }
0xb5: {  	[tilespmem:s20], [sflag:$0x3] =	stream.indirect_vreg.gather [hbm4b:s12+s2], $0x80, v4, vm0, $0xb8;
	[tilespmem:$0x18200] =	vst v63  }
0xb6: {  	s8 =	simm.s32 $0xA200  }
0xb7: {  	[tilespmem:s8], [sflag:$0x3] =	stream.indirect_vreg.gather [hbm4b:s1+s2], $0x80, v3, vm0, $0xb8;
	[tilespmem:$0x18200] =	vst v63  }
0xb8: {  	s9 =	simm.s32 $0xAA00  }
0xb9: {  	[tilespmem:s9], [sflag:$0x3] =	stream.indirect_vreg.gather [hbm4b:s10+s2], $0x80, v3, vm0, $0xb8;
	[tilespmem:$0x18200] =	vst v63  }
0xba: {  	s16 =	simm.s32 $0xB200  }
0xbb: {  	[tilespmem:s16], [sflag:$0x3] =	stream.indirect_vreg.gather [hbm4b:s11+s2], $0x80, v3, vm0, $0xb8;
	[tilespmem:$0x18200] =	vst v63  }
0xbc: {  	s18 =	simm.s32 $0xBA00  }
0xbd: {  	[tilespmem:s18], [sflag:$0x3] =	stream.indirect_vreg.gather [hbm4b:s12+s2], $0x80, v3, vm0, $0xb8;
	[tilespmem:$0x18200] =	vst v63  }
0xbe: {  	s20 =	sand.u32 $0x2000, s2;
	s8 =	sand.u32 $0x1C00, s2;
	_ =	swait.ge [sflag:s28], $0x4000  }
0xbf: {  	s3 =	sor.u32 s8, s20;
	s2 =	sand.u32 $0x380, s2;
	[sflag:s28] =	ssyncset.done $0x0  }
0xc0: {  	s2 =	sor.u32 s2, s3;
	[sflag:s28] =	ssyncadd.s32 $0xFFFFC000  }
0xc1: {  	v3 =	vld [tilespmem:s2+$0x10270]  }
0xc2: {  	v6 =	vld [tilespmem:s2+$0x10200]  }
0xc3: {  	v7 =	vld [tilespmem:s2+$0x10210]  }
0xc4: {  	v8 =	vld [tilespmem:s2+$0x10220]  }
0xc5: {  	v9 =	vld [tilespmem:s2+$0x10230]  }
0xc6: {  	v5 =	vld [tilespmem:s2+$0x10240]  }
0xc7: {  	v4 =	vld [tilespmem:s2+$0x10260]  }
0xc8: {  	[tilespmem:s2+$0x4270] =	vst.add.f32.msk $0xffff, v3  }
0xc9: {  	v3 =	vld [tilespmem:s2+$0x10250]  }
0xca: {  	[tilespmem:s2+$0x4200] =	vst.add.f32.msk $0xffff, v6  }
0xcb: {  	[tilespmem:s2+$0x4210] =	vst.add.f32.msk $0xffff, v7  }
0xcc: {  	s20 =	simm.s32 $0x0;
	[tilespmem:s2+$0x4220] =	vst.add.f32.msk $0xffff, v8  }
0xcd: {  	s8 =	simm.s32 $0x10;
	s9 =	simm.s32 $0x400;
	s18 =	simm.s32 $0x80;
	[tilespmem:s2+$0x4230] =	vst.add.f32.msk $0xffff, v9  }
.LBB2_9:
0xce: {  	s3 =	sand.u32 $0x2000, s18;
	s16 =	sand.u32 $0x1C00, s9;
	s20 =	sadd.s32 $0x8, s20;
	[tilespmem:s2+$0x4240] =	vst.add.f32.msk $0xffff, v5  }
0xcf: {  	s3 =	sor.u32 s16, s3;
	s16 =	sand.u32 $0x380, s8;
	p1 =	slt.u32 s20, $0x3F8;
	[tilespmem:s2+$0x4250] =	vst.add.f32.msk $0xffff, v3  }
0xd0: {  	[tilespmem:s2+$0x4260] =	vst.add.f32.msk $0xffff, v4;
	s2 =	sor.u32 s16, s3  }
0xd1: {  	v3 =	vld [tilespmem:s2+$0x10270]  }
0xd2: {  	v6 =	vld [tilespmem:s2+$0x10200]  }
0xd3: {  	v7 =	vld [tilespmem:s2+$0x10210]  }
0xd4: {  	v8 =	vld [tilespmem:s2+$0x10220]  }
0xd5: {  	v9 =	vld [tilespmem:s2+$0x10230]  }
0xd6: {  	[tilespmem:s2+$0x4270] =	vst.add.f32.msk $0xffff, v3  }
0xd7: {  	v5 =	vld [tilespmem:s2+$0x10240]  }
0xd8: {  	v3 =	vld [tilespmem:s2+$0x10250]  }
.Ltmp3:
0xd9: {  	v4 =	vld [tilespmem:s2+$0x10260];
	(pc) =	sbr.rel @p1 .LBB2_9-.Ltmp3, $4  }
0xda: {  	[tilespmem:s2+$0x4200] =	vst.add.f32.msk $0xffff, v6  }
0xdb: {  	[tilespmem:s2+$0x4210] =	vst.add.f32.msk $0xffff, v7  }
0xdc: {  	[tilespmem:s2+$0x4220] =	vst.add.f32.msk $0xffff, v8  }
0xdd: {  	s9 =	sadd.s32 $0x400, s9;
	s18 =	sadd.s32 $0x80, s18;
	s8 =	sadd.s32 $0x10, s8;
	[tilespmem:s2+$0x4230] =	vst.add.f32.msk $0xffff, v9  }
0xde: {  	[tilespmem:s2+$0x4240] =	vst.add.f32.msk $0xffff, v5  }
0xdf: {  	[tilespmem:s2+$0x4250] =	vst.add.f32.msk $0xffff, v3  }
0xe0: {  	[tilespmem:s2+$0x4260] =	vst.add.f32.msk $0xffff, v4  }
0xe1: {  	s2 =	rddreg [dreg:$0x9]  }
0xe2: {  	s2 =	sadd.s32 s31, s2  }
0xe3: {  	[hbm4b:s2+s5] =	stream.linear.scatter [tilespmem:s0], [sflag:$0x6], $0x4000, $0x38;
	[tilespmem:$0x18200] =	vst v63  }
0xe4: {  	s2 =	simm.s32 @!p0 $0x8  }
0xe5: {  	_ =	swait.ge @!p0 [sflag:s2], $0x4000  }
0xe6: {  	[sflag:s2] =	ssyncset.done @!p0 $0x0  }
0xe7: {  	[sflag:s2] =	ssyncadd.s32 @!p0 $0xFFFFC000  }
0xe8: {  	v3 =	vld [tilespmem:s26+$0x180];
	_ =	sdelay $0x4  }
0xe9: {  	v4 =	vshll.u32 v3, $0x3  }
0xea: {  	v3 =	vand.u32 $0x7, v3;
	v4 =	vand.u32 $0xFFFFFFC0, v4  }
0xeb: {  	v3 =	vor.u32 v3, v4  }
0xec: {  	v4 =	vperm.xlane v3, v0;
	_ =	sdelay $0x1  }
0xed: {  	v4 =	vadd.s32 v1, v4;
	_ =	sdelay $0x3  }
0xee: {  	s2 =	simm.s32 $0x0  }
0xef: {  	[tilespmem:s29], [sflag:$0x4] =	stream.indirect_vreg.gather [hbm4b:s1+s2], $0x80, v4, vm0, $0xb8;
	[tilespmem:$0x18200] =	vst v63  }
0xf0: {  	s3 =	simm.s32 $0xCA00;
	v3 =	vperm.xlane v3, v2  }
0xf1: {  	[tilespmem:s3], [sflag:$0x4] =	stream.indirect_vreg.gather [hbm4b:s10+s2], $0x80, v4, vm0, $0xb8;
	[tilespmem:$0x18200] =	vst v63  }
0xf2: {  	s18 =	simm.s32 $0xD200;
	v3 =	vadd.s32 v1, v3  }
0xf3: {  	[tilespmem:s18], [sflag:$0x4] =	stream.indirect_vreg.gather [hbm4b:s11+s2], $0x80, v4, vm0, $0xb8;
	[tilespmem:$0x18200] =	vst v63  }
0xf4: {  	s20 =	simm.s32 $0xDA00  }
0xf5: {  	[tilespmem:s20], [sflag:$0x4] =	stream.indirect_vreg.gather [hbm4b:s12+s2], $0x80, v4, vm0, $0xb8;
	[tilespmem:$0x18200] =	vst v63  }
0xf6: {  	s8 =	simm.s32 $0xE200  }
0xf7: {  	[tilespmem:s8], [sflag:$0x4] =	stream.indirect_vreg.gather [hbm4b:s1+s2], $0x80, v3, vm0, $0xb8;
	[tilespmem:$0x18200] =	vst v63  }
0xf8: {  	s9 =	simm.s32 $0xEA00  }
0xf9: {  	[tilespmem:s9], [sflag:$0x4] =	stream.indirect_vreg.gather [hbm4b:s10+s2], $0x80, v3, vm0, $0xb8;
	[tilespmem:$0x18200] =	vst v63  }
0xfa: {  	s16 =	simm.s32 $0xF200  }
0xfb: {  	[tilespmem:s16], [sflag:$0x4] =	stream.indirect_vreg.gather [hbm4b:s11+s2], $0x80, v3, vm0, $0xb8;
	[tilespmem:$0x18200] =	vst v63  }
0xfc: {  	s18 =	simm.s32 $0xFA00  }
0xfd: {  	[tilespmem:s18], [sflag:$0x4] =	stream.indirect_vreg.gather [hbm4b:s12+s2], $0x80, v3, vm0, $0xb8;
	[tilespmem:$0x18200] =	vst v63  }
0xfe: {  	s20 =	sand.u32 $0x2000, s2;
	s8 =	sand.u32 $0x1C00, s2;
	_ =	swait.ge [sflag:s19], $0x4000  }
0xff: {  	s3 =	sor.u32 s8, s20;
	s2 =	sand.u32 $0x380, s2;
	[sflag:s19] =	ssyncset.done $0x0  }
0x100: {  	s2 =	sor.u32 s2, s3;
	[sflag:s19] =	ssyncadd.s32 $0xFFFFC000  }
0x101: {  	v3 =	vld [tilespmem:s2+$0x10270]  }
0x102: {  	v6 =	vld [tilespmem:s2+$0x10200]  }
0x103: {  	v7 =	vld [tilespmem:s2+$0x10210]  }
0x104: {  	v8 =	vld [tilespmem:s2+$0x10220]  }
0x105: {  	v9 =	vld [tilespmem:s2+$0x10230]  }
0x106: {  	v5 =	vld [tilespmem:s2+$0x10240]  }
0x107: {  	v4 =	vld [tilespmem:s2+$0x10260]  }
0x108: {  	[tilespmem:s2+$0x8270] =	vst.add.f32.msk $0xffff, v3  }
0x109: {  	v3 =	vld [tilespmem:s2+$0x10250]  }
0x10a: {  	[tilespmem:s2+$0x8200] =	vst.add.f32.msk $0xffff, v6  }
0x10b: {  	[tilespmem:s2+$0x8210] =	vst.add.f32.msk $0xffff, v7  }
0x10c: {  	s20 =	simm.s32 $0x0;
	[tilespmem:s2+$0x8220] =	vst.add.f32.msk $0xffff, v8  }
0x10d: {  	s8 =	simm.s32 $0x10;
	s9 =	simm.s32 $0x400;
	s18 =	simm.s32 $0x80;
	[tilespmem:s2+$0x8230] =	vst.add.f32.msk $0xffff, v9  }
.LBB2_11:
0x10e: {  	s3 =	sand.u32 $0x2000, s18;
	s16 =	sand.u32 $0x1C00, s9;
	s20 =	sadd.s32 $0x8, s20;
	[tilespmem:s2+$0x8240] =	vst.add.f32.msk $0xffff, v5  }
0x10f: {  	s3 =	sor.u32 s16, s3;
	s16 =	sand.u32 $0x380, s8;
	p0 =	slt.u32 s20, $0x3F8;
	[tilespmem:s2+$0x8250] =	vst.add.f32.msk $0xffff, v3  }
0x110: {  	[tilespmem:s2+$0x8260] =	vst.add.f32.msk $0xffff, v4;
	s2 =	sor.u32 s16, s3  }
0x111: {  	v3 =	vld [tilespmem:s2+$0x10270]  }
0x112: {  	v6 =	vld [tilespmem:s2+$0x10200]  }
0x113: {  	v7 =	vld [tilespmem:s2+$0x10210]  }
0x114: {  	v8 =	vld [tilespmem:s2+$0x10220]  }
0x115: {  	v9 =	vld [tilespmem:s2+$0x10230]  }
0x116: {  	[tilespmem:s2+$0x8270] =	vst.add.f32.msk $0xffff, v3  }
0x117: {  	v5 =	vld [tilespmem:s2+$0x10240]  }
0x118: {  	v3 =	vld [tilespmem:s2+$0x10250]  }
.Ltmp4:
0x119: {  	v4 =	vld [tilespmem:s2+$0x10260];
	(pc) =	sbr.rel @p0 .LBB2_11-.Ltmp4, $4  }
0x11a: {  	[tilespmem:s2+$0x8200] =	vst.add.f32.msk $0xffff, v6  }
0x11b: {  	[tilespmem:s2+$0x8210] =	vst.add.f32.msk $0xffff, v7  }
0x11c: {  	[tilespmem:s2+$0x8220] =	vst.add.f32.msk $0xffff, v8  }
0x11d: {  	s9 =	sadd.s32 $0x400, s9;
	s18 =	sadd.s32 $0x80, s18;
	s8 =	sadd.s32 $0x10, s8;
	[tilespmem:s2+$0x8230] =	vst.add.f32.msk $0xffff, v9  }
0x11e: {  	[tilespmem:s2+$0x8240] =	vst.add.f32.msk $0xffff, v5  }
0x11f: {  	[tilespmem:s2+$0x8250] =	vst.add.f32.msk $0xffff, v3  }
0x120: {  	[tilespmem:s2+$0x8260] =	vst.add.f32.msk $0xffff, v4;
	s9 =	sadd.s32 s31, s15;
	s3 =	simm.s32 $0x0  }
0x121: {  	[hbm4b:s9+s3] =	stream.linear.scatter [tilespmem:s13], [sflag:$0x7], $0x4000, $0x38;
	[tilespmem:$0x18200] =	vst v63  }
0x122: {  	_ =	swait.ge [sflag:s22], $0x4000  }
0x123: {  	[sflag:s22] =	ssyncset.done $0x0  }
0x124: {  	s30 =	sshll.u32 s30, $0x4;
	[sflag:s22] =	ssyncadd.s32 $0xFFFFC000  }
0x125: {  	v3 =	vld [tilespmem:s30+$0x0];
	_ =	sdelay $0x4  }
0x126: {  	v4 =	vshll.u32 v3, $0x3  }
0x127: {  	v3 =	vand.u32 $0x7, v3;
	v4 =	vand.u32 $0xFFFFFFC0, v4  }
0x128: {  	v3 =	vor.u32 v3, v4  }
0x129: {  	v4 =	vperm.xlane v3, v0;
	_ =	sdelay $0x1  }
0x12a: {  	v4 =	vadd.s32 v1, v4;
	_ =	sdelay $0x4  }
0x12b: {  	[tilespmem:s23], [sflag:$0x1] =	stream.indirect_vreg.gather [hbm4b:s1+s3], $0x80, v4, vm0, $0xb8;
	[tilespmem:$0x18200] =	vst v63  }
0x12c: {  	s16 =	simm.s32 $0xA00;
	v3 =	vperm.xlane v3, v2  }
0x12d: {  	[tilespmem:s16], [sflag:$0x1] =	stream.indirect_vreg.gather [hbm4b:s10+s3], $0x80, v4, vm0, $0xb8;
	[tilespmem:$0x18200] =	vst v63  }
0x12e: {  	s18 =	simm.s32 $0x1200;
	v3 =	vadd.s32 v1, v3  }
0x12f: {  	[tilespmem:s18], [sflag:$0x1] =	stream.indirect_vreg.gather [hbm4b:s11+s3], $0x80, v4, vm0, $0xb8;
	[tilespmem:$0x18200] =	vst v63  }
0x130: {  	s20 =	simm.s32 $0x1A00  }
0x131: {  	[tilespmem:s20], [sflag:$0x1] =	stream.indirect_vreg.gather [hbm4b:s12+s3], $0x80, v4, vm0, $0xb8;
	[tilespmem:$0x18200] =	vst v63  }
0x132: {  	s8 =	simm.s32 $0x2200  }
0x133: {  	[tilespmem:s8], [sflag:$0x1] =	stream.indirect_vreg.gather [hbm4b:s1+s3], $0x80, v3, vm0, $0xb8;
	[tilespmem:$0x18200] =	vst v63  }
0x134: {  	s9 =	simm.s32 $0x2A00  }
0x135: {  	[tilespmem:s9], [sflag:$0x1] =	stream.indirect_vreg.gather [hbm4b:s10+s3], $0x80, v3, vm0, $0xb8;
	[tilespmem:$0x18200] =	vst v63  }
0x136: {  	s16 =	simm.s32 $0x3200  }
0x137: {  	[tilespmem:s16], [sflag:$0x1] =	stream.indirect_vreg.gather [hbm4b:s11+s3], $0x80, v3, vm0, $0xb8;
	[tilespmem:$0x18200] =	vst v63  }
0x138: {  	s18 =	simm.s32 $0x3A00  }
0x139: {  	[tilespmem:s18], [sflag:$0x1] =	stream.indirect_vreg.gather [hbm4b:s12+s3], $0x80, v3, vm0, $0xb8;
	[tilespmem:$0x18200] =	vst v63  }
0x13a: {  	s20 =	sand.u32 $0x2000, s3;
	s8 =	sand.u32 $0x1C00, s3;
	_ =	swait.ge [sflag:s7], $0x4000  }
0x13b: {  	s2 =	sor.u32 s8, s20;
	s3 =	sand.u32 $0x380, s3;
	[sflag:s7] =	ssyncset.done $0x0  }
0x13c: {  	s2 =	sor.u32 s3, s2;
	[sflag:s7] =	ssyncadd.s32 $0xFFFFC000  }
0x13d: {  	v3 =	vld [tilespmem:s2+$0x10270]  }
0x13e: {  	v6 =	vld [tilespmem:s2+$0x10200]  }
0x13f: {  	v7 =	vld [tilespmem:s2+$0x10210]  }
0x140: {  	v8 =	vld [tilespmem:s2+$0x10220]  }
0x141: {  	v9 =	vld [tilespmem:s2+$0x10230]  }
0x142: {  	v5 =	vld [tilespmem:s2+$0x10240]  }
0x143: {  	v4 =	vld [tilespmem:s2+$0x10260]  }
0x144: {  	[tilespmem:s2+$0xC270] =	vst.add.f32.msk $0xffff, v3  }
0x145: {  	v3 =	vld [tilespmem:s2+$0x10250]  }
0x146: {  	[tilespmem:s2+$0xC200] =	vst.add.f32.msk $0xffff, v6  }
0x147: {  	[tilespmem:s2+$0xC210] =	vst.add.f32.msk $0xffff, v7  }
0x148: {  	s20 =	simm.s32 $0x0;
	[tilespmem:s2+$0xC220] =	vst.add.f32.msk $0xffff, v8  }
0x149: {  	s8 =	simm.s32 $0x10;
	s9 =	simm.s32 $0x400;
	s18 =	simm.s32 $0x80;
	[tilespmem:s2+$0xC230] =	vst.add.f32.msk $0xffff, v9  }
.LBB2_13:
0x14a: {  	s3 =	sand.u32 $0x2000, s18;
	s16 =	sand.u32 $0x1C00, s9;
	s20 =	sadd.s32 $0x8, s20;
	[tilespmem:s2+$0xC240] =	vst.add.f32.msk $0xffff, v5  }
0x14b: {  	s3 =	sor.u32 s16, s3;
	s16 =	sand.u32 $0x380, s8;
	p0 =	slt.u32 s20, $0x3F8;
	[tilespmem:s2+$0xC250] =	vst.add.f32.msk $0xffff, v3  }
0x14c: {  	[tilespmem:s2+$0xC260] =	vst.add.f32.msk $0xffff, v4;
	s2 =	sor.u32 s16, s3  }
0x14d: {  	v3 =	vld [tilespmem:s2+$0x10270]  }
0x14e: {  	v6 =	vld [tilespmem:s2+$0x10200]  }
0x14f: {  	v7 =	vld [tilespmem:s2+$0x10210]  }
0x150: {  	v8 =	vld [tilespmem:s2+$0x10220]  }
0x151: {  	v9 =	vld [tilespmem:s2+$0x10230]  }
0x152: {  	[tilespmem:s2+$0xC270] =	vst.add.f32.msk $0xffff, v3  }
0x153: {  	v5 =	vld [tilespmem:s2+$0x10240]  }
0x154: {  	v3 =	vld [tilespmem:s2+$0x10250]  }
.Ltmp5:
0x155: {  	v4 =	vld [tilespmem:s2+$0x10260];
	(pc) =	sbr.rel @p0 .LBB2_13-.Ltmp5, $4  }
0x156: {  	[tilespmem:s2+$0xC200] =	vst.add.f32.msk $0xffff, v6  }
0x157: {  	[tilespmem:s2+$0xC210] =	vst.add.f32.msk $0xffff, v7  }
0x158: {  	[tilespmem:s2+$0xC220] =	vst.add.f32.msk $0xffff, v8  }
0x159: {  	s9 =	sadd.s32 $0x400, s9;
	s18 =	sadd.s32 $0x80, s18;
	s8 =	sadd.s32 $0x10, s8;
	[tilespmem:s2+$0xC230] =	vst.add.f32.msk $0xffff, v9  }
0x15a: {  	[tilespmem:s2+$0xC240] =	vst.add.f32.msk $0xffff, v5  }
0x15b: {  	[tilespmem:s2+$0xC250] =	vst.add.f32.msk $0xffff, v3  }
0x15c: {  	[tilespmem:s2+$0xC260] =	vst.add.f32.msk $0xffff, v4  }
0x15d: {  	s2 =	rddreg [dreg:$0xa]  }
0x15e: {  	s2 =	sadd.s32 s31, s2  }
0x15f: {  	[hbm4b:s2+s5] =	stream.linear.scatter [tilespmem:s29], [sflag:$0x8], $0x4000, $0x38;
	[tilespmem:$0x18200] =	vst v63  }
0x160: {  	p0 =	seq.s32 s25, $0x3;
	s2 =	rddreg [dreg:$0xb]  }
0x161: {  	s2 =	sadd.s32 @!p0 s26, s2  }
0x162: {  	s3 =	rddreg [dreg:$0x2];
	s2 =	sshll.u32 @!p0 s2, $0x7  }
0x163: {  	s8 =	simm.s32 @!p0 $0x10200;
	s2 =	sadd.s32 @!p0 s3, s2;
	s3 =	simm.s32 @!p0 $0x0  }
0x164: {  	[tilespmem:s8], [sflag:$0x9] =	stream.linear.gather @!p0 [hbm4b:s2+s3], $0x4000, $0x38;
	[tilespmem:$0x18200] =	vst v63  }
0x165: {  	_ =	swait.ge [sflag:s14], $0x4000  }
0x166: {  	[sflag:s14] =	ssyncset.done $0x0  }
0x167: {  	[sflag:s14] =	ssyncadd.s32 $0xFFFFC000  }
0x168: {  	v3 =	vld [tilespmem:s30+$0x80];
	_ =	sdelay $0x4  }
0x169: {  	v4 =	vshll.u32 v3, $0x3  }
0x16a: {  	v3 =	vand.u32 $0x7, v3;
	v4 =	vand.u32 $0xFFFFFFC0, v4  }
0x16b: {  	v3 =	vor.u32 v3, v4  }
0x16c: {  	v4 =	vperm.xlane v3, v0;
	_ =	sdelay $0x1  }
0x16d: {  	v4 =	vadd.s32 v1, v4;
	_ =	sdelay $0x3  }
0x16e: {  	s2 =	simm.s32 $0x0  }
0x16f: {  	[tilespmem:s0], [sflag:$0x2] =	stream.indirect_vreg.gather [hbm4b:s1+s2], $0x80, v4, vm0, $0xb8;
	[tilespmem:$0x18200] =	vst v63  }
0x170: {  	s26 =	simm.s32 $0x4A00;
	v3 =	vperm.xlane v3, v2  }
0x171: {  	[tilespmem:s26], [sflag:$0x2] =	stream.indirect_vreg.gather [hbm4b:s10+s2], $0x80, v4, vm0, $0xb8;
	[tilespmem:$0x18200] =	vst v63  }
0x172: {  	s31 =	simm.s32 $0x5200;
	v3 =	vadd.s32 v1, v3  }
0x173: {  	[tilespmem:s31], [sflag:$0x2] =	stream.indirect_vreg.gather [hbm4b:s11+s2], $0x80, v4, vm0, $0xb8;
	[tilespmem:$0x18200] =	vst v63  }
0x174: {  	s8 =	simm.s32 $0x5A00  }
0x175: {  	[tilespmem:s8], [sflag:$0x2] =	stream.indirect_vreg.gather [hbm4b:s12+s2], $0x80, v4, vm0, $0xb8;
	[tilespmem:$0x18200] =	vst v63  }
0x176: {  	s9 =	simm.s32 $0x6200  }
0x177: {  	[tilespmem:s9], [sflag:$0x2] =	stream.indirect_vreg.gather [hbm4b:s1+s2], $0x80, v3, vm0, $0xb8;
	[tilespmem:$0x18200] =	vst v63  }
0x178: {  	s16 =	simm.s32 $0x6A00  }
0x179: {  	[tilespmem:s16], [sflag:$0x2] =	stream.indirect_vreg.gather [hbm4b:s10+s2], $0x80, v3, vm0, $0xb8;
	[tilespmem:$0x18200] =	vst v63  }
0x17a: {  	s18 =	simm.s32 $0x7200  }
0x17b: {  	[tilespmem:s18], [sflag:$0x2] =	stream.indirect_vreg.gather [hbm4b:s11+s2], $0x80, v3, vm0, $0xb8;
	[tilespmem:$0x18200] =	vst v63  }
0x17c: {  	s20 =	simm.s32 $0x7A00  }
0x17d: {  	[tilespmem:s20], [sflag:$0x2] =	stream.indirect_vreg.gather [hbm4b:s12+s2], $0x80, v3, vm0, $0xb8;
	[tilespmem:$0x18200] =	vst v63  }
0x17e: {  	_ =	swait.ge [sflag:s21], $0x4000  }
0x17f: {  	[sflag:s21] =	ssyncset.done $0x0  }
0x180: {  	s9 =	simm.s32 $0xA;
	[sflag:s21] =	ssyncadd.s32 $0xFFFFC000  }
0x181: {  	s26 =	sand.u32 $0x2000, s2;
	s31 =	sand.u32 $0x1C00, s2;
	_ =	swait.ge [sflag:s9], $0x4000  }
0x182: {  	s3 =	sor.u32 s31, s26;
	s2 =	sand.u32 $0x380, s2;
	[sflag:s9] =	ssyncset.done $0x0  }
0x183: {  	s2 =	sor.u32 s2, s3;
	[sflag:s9] =	ssyncadd.s32 $0xFFFFC000  }
0x184: {  	v3 =	vld [tilespmem:s2+$0x14270]  }
0x185: {  	v6 =	vld [tilespmem:s2+$0x14200]  }
0x186: {  	v7 =	vld [tilespmem:s2+$0x14210]  }
0x187: {  	v8 =	vld [tilespmem:s2+$0x14220]  }
0x188: {  	v9 =	vld [tilespmem:s2+$0x14230]  }
0x189: {  	v5 =	vld [tilespmem:s2+$0x14240]  }
0x18a: {  	v4 =	vld [tilespmem:s2+$0x14250]  }
0x18b: {  	[tilespmem:s2+$0x270] =	vst.add.f32.msk $0xffff, v3  }
0x18c: {  	v3 =	vld [tilespmem:s2+$0x14260]  }
0x18d: {  	[tilespmem:s2+$0x200] =	vst.add.f32.msk $0xffff, v6  }
0x18e: {  	[tilespmem:s2+$0x210] =	vst.add.f32.msk $0xffff, v7  }
0x18f: {  	s8 =	simm.s32 $0x10;
	[tilespmem:s2+$0x220] =	vst.add.f32.msk $0xffff, v8  }
0x190: {  	s18 =	simm.s32 $0x80;
	s20 =	simm.s32 $0x0;
	s9 =	simm.s32 $0x400;
	[tilespmem:s2+$0x230] =	vst.add.f32.msk $0xffff, v9  }
.LBB2_15:
0x191: {  	s3 =	sand.u32 $0x2000, s18;
	s16 =	sand.u32 $0x1C00, s9;
	s20 =	sadd.s32 $0x8, s20;
	[tilespmem:s2+$0x240] =	vst.add.f32.msk $0xffff, v5  }
0x192: {  	s3 =	sor.u32 s16, s3;
	s16 =	sand.u32 $0x380, s8;
	p0 =	slt.u32 s20, $0x3F8;
	[tilespmem:s2+$0x250] =	vst.add.f32.msk $0xffff, v4  }
0x193: {  	[tilespmem:s2+$0x260] =	vst.add.f32.msk $0xffff, v3;
	s2 =	sor.u32 s16, s3  }
0x194: {  	v3 =	vld [tilespmem:s2+$0x14270]  }
0x195: {  	v6 =	vld [tilespmem:s2+$0x14200]  }
0x196: {  	v7 =	vld [tilespmem:s2+$0x14210]  }
0x197: {  	v8 =	vld [tilespmem:s2+$0x14220]  }
0x198: {  	v9 =	vld [tilespmem:s2+$0x14230]  }
0x199: {  	[tilespmem:s2+$0x270] =	vst.add.f32.msk $0xffff, v3  }
0x19a: {  	v5 =	vld [tilespmem:s2+$0x14240]  }
0x19b: {  	v4 =	vld [tilespmem:s2+$0x14250]  }
.Ltmp6:
0x19c: {  	v3 =	vld [tilespmem:s2+$0x14260];
	(pc) =	sbr.rel @p0 .LBB2_15-.Ltmp6, $4  }
0x19d: {  	[tilespmem:s2+$0x200] =	vst.add.f32.msk $0xffff, v6  }
0x19e: {  	[tilespmem:s2+$0x210] =	vst.add.f32.msk $0xffff, v7  }
0x19f: {  	[tilespmem:s2+$0x220] =	vst.add.f32.msk $0xffff, v8  }
0x1a0: {  	s9 =	sadd.s32 $0x400, s9;
	s18 =	sadd.s32 $0x80, s18;
	s8 =	sadd.s32 $0x10, s8;
	[tilespmem:s2+$0x230] =	vst.add.f32.msk $0xffff, v9  }
0x1a1: {  	[tilespmem:s2+$0x240] =	vst.add.f32.msk $0xffff, v5;
	s3 =	sor.u32 s6, s30  }
0x1a2: {  	[tilespmem:s2+$0x250] =	vst.add.f32.msk $0xffff, v4;
	s26 =	sshll.u32 s3, $0x7  }
0x1a3: {  	[tilespmem:s2+$0x260] =	vst.add.f32.msk $0xffff, v3;
	s3 =	simm.s32 $0x0;
	s18 =	sadd.s32 s4, s26  }
0x1a4: {  	[hbm4b:s18+s3] =	stream.linear.scatter [tilespmem:s23], [sflag:$0x5], $0x4000, $0x38;
	[tilespmem:$0x18200] =	vst v63  }
0x1a5: {  	_ =	swait.ge [sflag:s17], $0x4000  }
0x1a6: {  	[sflag:s17] =	ssyncset.done $0x0  }
0x1a7: {  	[sflag:s17] =	ssyncadd.s32 $0xFFFFC000  }
0x1a8: {  	v3 =	vld [tilespmem:s30+$0x100];
	_ =	sdelay $0x4  }
0x1a9: {  	v4 =	vshll.u32 v3, $0x3  }
0x1aa: {  	v3 =	vand.u32 $0x7, v3;
	v4 =	vand.u32 $0xFFFFFFC0, v4  }
0x1ab: {  	v3 =	vor.u32 v3, v4  }
0x1ac: {  	v4 =	vperm.xlane v3, v0;
	_ =	sdelay $0x1  }
0x1ad: {  	v4 =	vadd.s32 v1, v4;
	_ =	sdelay $0x4  }
0x1ae: {  	[tilespmem:s13], [sflag:$0x3] =	stream.indirect_vreg.gather [hbm4b:s1+s3], $0x80, v4, vm0, $0xb8;
	[tilespmem:$0x18200] =	vst v63  }
0x1af: {  	s20 =	simm.s32 $0x8A00;
	v3 =	vperm.xlane v3, v2  }
0x1b0: {  	[tilespmem:s20], [sflag:$0x3] =	stream.indirect_vreg.gather [hbm4b:s10+s3], $0x80, v4, vm0, $0xb8;
	[tilespmem:$0x18200] =	vst v63  }
0x1b1: {  	s31 =	simm.s32 $0x9200;
	v3 =	vadd.s32 v1, v3  }
0x1b2: {  	[tilespmem:s31], [sflag:$0x3] =	stream.indirect_vreg.gather [hbm4b:s11+s3], $0x80, v4, vm0, $0xb8;
	[tilespmem:$0x18200] =	vst v63  }
0x1b3: {  	s8 =	simm.s32 $0x9A00  }
0x1b4: {  	[tilespmem:s8], [sflag:$0x3] =	stream.indirect_vreg.gather [hbm4b:s12+s3], $0x80, v4, vm0, $0xb8;
	[tilespmem:$0x18200] =	vst v63  }
0x1b5: {  	s9 =	simm.s32 $0xA200  }
0x1b6: {  	[tilespmem:s9], [sflag:$0x3] =	stream.indirect_vreg.gather [hbm4b:s1+s3], $0x80, v3, vm0, $0xb8;
	[tilespmem:$0x18200] =	vst v63  }
0x1b7: {  	s16 =	simm.s32 $0xAA00  }
0x1b8: {  	[tilespmem:s16], [sflag:$0x3] =	stream.indirect_vreg.gather [hbm4b:s10+s3], $0x80, v3, vm0, $0xb8;
	[tilespmem:$0x18200] =	vst v63  }
0x1b9: {  	s18 =	simm.s32 $0xB200  }
0x1ba: {  	[tilespmem:s18], [sflag:$0x3] =	stream.indirect_vreg.gather [hbm4b:s11+s3], $0x80, v3, vm0, $0xb8;
	[tilespmem:$0x18200] =	vst v63  }
0x1bb: {  	s20 =	simm.s32 $0xBA00  }
0x1bc: {  	[tilespmem:s20], [sflag:$0x3] =	stream.indirect_vreg.gather [hbm4b:s12+s3], $0x80, v3, vm0, $0xb8;
	[tilespmem:$0x18200] =	vst v63  }
0x1bd: {  	s31 =	sand.u32 $0x2000, s3;
	s8 =	sand.u32 $0x1C00, s3;
	_ =	swait.ge [sflag:s28], $0x4000  }
0x1be: {  	s2 =	sor.u32 s8, s31;
	s3 =	sand.u32 $0x380, s3;
	[sflag:s28] =	ssyncset.done $0x0  }
0x1bf: {  	s2 =	sor.u32 s3, s2;
	[sflag:s28] =	ssyncadd.s32 $0xFFFFC000  }
0x1c0: {  	v3 =	vld [tilespmem:s2+$0x14270]  }
0x1c1: {  	v6 =	vld [tilespmem:s2+$0x14200]  }
0x1c2: {  	v7 =	vld [tilespmem:s2+$0x14210]  }
0x1c3: {  	v8 =	vld [tilespmem:s2+$0x14220]  }
0x1c4: {  	v9 =	vld [tilespmem:s2+$0x14230]  }
0x1c5: {  	v5 =	vld [tilespmem:s2+$0x14240]  }
0x1c6: {  	v4 =	vld [tilespmem:s2+$0x14250]  }
0x1c7: {  	[tilespmem:s2+$0x4270] =	vst.add.f32.msk $0xffff, v3  }
0x1c8: {  	v3 =	vld [tilespmem:s2+$0x14260]  }
0x1c9: {  	[tilespmem:s2+$0x4200] =	vst.add.f32.msk $0xffff, v6  }
0x1ca: {  	[tilespmem:s2+$0x4210] =	vst.add.f32.msk $0xffff, v7  }
0x1cb: {  	s8 =	simm.s32 $0x10;
	[tilespmem:s2+$0x4220] =	vst.add.f32.msk $0xffff, v8  }
0x1cc: {  	s9 =	simm.s32 $0x400;
	s18 =	simm.s32 $0x80;
	s20 =	simm.s32 $0x0;
	[tilespmem:s2+$0x4230] =	vst.add.f32.msk $0xffff, v9  }
.LBB2_17:
0x1cd: {  	s3 =	sand.u32 $0x2000, s18;
	s16 =	sand.u32 $0x1C00, s9;
	s20 =	sadd.s32 $0x8, s20;
	[tilespmem:s2+$0x4240] =	vst.add.f32.msk $0xffff, v5  }
0x1ce: {  	s3 =	sor.u32 s16, s3;
	s16 =	sand.u32 $0x380, s8;
	p0 =	slt.u32 s20, $0x3F8;
	[tilespmem:s2+$0x4250] =	vst.add.f32.msk $0xffff, v4  }
0x1cf: {  	[tilespmem:s2+$0x4260] =	vst.add.f32.msk $0xffff, v3;
	s2 =	sor.u32 s16, s3  }
0x1d0: {  	v3 =	vld [tilespmem:s2+$0x14270]  }
0x1d1: {  	v6 =	vld [tilespmem:s2+$0x14200]  }
0x1d2: {  	v7 =	vld [tilespmem:s2+$0x14210]  }
0x1d3: {  	v8 =	vld [tilespmem:s2+$0x14220]  }
0x1d4: {  	v9 =	vld [tilespmem:s2+$0x14230]  }
0x1d5: {  	[tilespmem:s2+$0x4270] =	vst.add.f32.msk $0xffff, v3  }
0x1d6: {  	v5 =	vld [tilespmem:s2+$0x14240]  }
0x1d7: {  	v4 =	vld [tilespmem:s2+$0x14250]  }
.Ltmp7:
0x1d8: {  	v3 =	vld [tilespmem:s2+$0x14260];
	(pc) =	sbr.rel @p0 .LBB2_17-.Ltmp7, $4  }
0x1d9: {  	[tilespmem:s2+$0x4200] =	vst.add.f32.msk $0xffff, v6  }
0x1da: {  	[tilespmem:s2+$0x4210] =	vst.add.f32.msk $0xffff, v7  }
0x1db: {  	[tilespmem:s2+$0x4220] =	vst.add.f32.msk $0xffff, v8  }
0x1dc: {  	s9 =	sadd.s32 $0x400, s9;
	s18 =	sadd.s32 $0x80, s18;
	s8 =	sadd.s32 $0x10, s8;
	[tilespmem:s2+$0x4230] =	vst.add.f32.msk $0xffff, v9  }
0x1dd: {  	[tilespmem:s2+$0x4240] =	vst.add.f32.msk $0xffff, v5  }
0x1de: {  	[tilespmem:s2+$0x4250] =	vst.add.f32.msk $0xffff, v4;
	s3 =	sor.u32 $0x80000, s26  }
0x1df: {  	[tilespmem:s2+$0x4260] =	vst.add.f32.msk $0xffff, v3;
	s20 =	sadd.s32 s4, s3;
	s3 =	simm.s32 $0x0  }
0x1e0: {  	[hbm4b:s20+s3] =	stream.linear.scatter [tilespmem:s0], [sflag:$0x6], $0x4000, $0x38;
	[tilespmem:$0x18200] =	vst v63  }
0x1e1: {  	_ =	swait.ge [sflag:s24], $0x4000  }
0x1e2: {  	[sflag:s24] =	ssyncset.done $0x0  }
0x1e3: {  	[sflag:s24] =	ssyncadd.s32 $0xFFFFC000  }
0x1e4: {  	v3 =	vld [tilespmem:s30+$0x180];
	_ =	sdelay $0x4  }
0x1e5: {  	v4 =	vshll.u32 v3, $0x3  }
0x1e6: {  	v3 =	vand.u32 $0x7, v3;
	v4 =	vand.u32 $0xFFFFFFC0, v4  }
0x1e7: {  	v3 =	vor.u32 v3, v4  }
0x1e8: {  	v4 =	vperm.xlane v3, v0;
	_ =	sdelay $0x1  }
0x1e9: {  	v4 =	vadd.s32 v1, v4;
	_ =	sdelay $0x4  }
0x1ea: {  	[tilespmem:s29], [sflag:$0x4] =	stream.indirect_vreg.gather [hbm4b:s1+s3], $0x80, v4, vm0, $0xb8;
	[tilespmem:$0x18200] =	vst v63  }
0x1eb: {  	s31 =	simm.s32 $0xCA00;
	v3 =	vperm.xlane v3, v2  }
0x1ec: {  	[tilespmem:s31], [sflag:$0x4] =	stream.indirect_vreg.gather [hbm4b:s10+s3], $0x80, v4, vm0, $0xb8;
	[tilespmem:$0x18200] =	vst v63  }
0x1ed: {  	s8 =	simm.s32 $0xD200;
	v3 =	vadd.s32 v1, v3  }
0x1ee: {  	[tilespmem:s8], [sflag:$0x4] =	stream.indirect_vreg.gather [hbm4b:s11+s3], $0x80, v4, vm0, $0xb8;
	[tilespmem:$0x18200] =	vst v63  }
0x1ef: {  	s9 =	simm.s32 $0xDA00  }
0x1f0: {  	[tilespmem:s9], [sflag:$0x4] =	stream.indirect_vreg.gather [hbm4b:s12+s3], $0x80, v4, vm0, $0xb8;
	[tilespmem:$0x18200] =	vst v63  }
0x1f1: {  	s16 =	simm.s32 $0xE200  }
0x1f2: {  	[tilespmem:s16], [sflag:$0x4] =	stream.indirect_vreg.gather [hbm4b:s1+s3], $0x80, v3, vm0, $0xb8;
	[tilespmem:$0x18200] =	vst v63  }
0x1f3: {  	s18 =	simm.s32 $0xEA00  }
0x1f4: {  	[tilespmem:s18], [sflag:$0x4] =	stream.indirect_vreg.gather [hbm4b:s10+s3], $0x80, v3, vm0, $0xb8;
	[tilespmem:$0x18200] =	vst v63  }
0x1f5: {  	s20 =	simm.s32 $0xF200  }
0x1f6: {  	[tilespmem:s20], [sflag:$0x4] =	stream.indirect_vreg.gather [hbm4b:s11+s3], $0x80, v3, vm0, $0xb8;
	[tilespmem:$0x18200] =	vst v63  }
0x1f7: {  	s30 =	simm.s32 $0xFA00  }
0x1f8: {  	[tilespmem:s30], [sflag:$0x4] =	stream.indirect_vreg.gather [hbm4b:s12+s3], $0x80, v3, vm0, $0xb8;
	[tilespmem:$0x18200] =	vst v63  }
0x1f9: {  	s31 =	sand.u32 $0x2000, s3;
	s8 =	sand.u32 $0x1C00, s3;
	_ =	swait.ge [sflag:s19], $0x4000  }
0x1fa: {  	s2 =	sor.u32 s8, s31;
	s3 =	sand.u32 $0x380, s3;
	[sflag:s19] =	ssyncset.done $0x0  }
0x1fb: {  	s2 =	sor.u32 s3, s2;
	[sflag:s19] =	ssyncadd.s32 $0xFFFFC000  }
0x1fc: {  	v3 =	vld [tilespmem:s2+$0x14270]  }
0x1fd: {  	v6 =	vld [tilespmem:s2+$0x14200]  }
0x1fe: {  	v7 =	vld [tilespmem:s2+$0x14210]  }
0x1ff: {  	v8 =	vld [tilespmem:s2+$0x14220]  }
0x200: {  	v9 =	vld [tilespmem:s2+$0x14230]  }
0x201: {  	v5 =	vld [tilespmem:s2+$0x14240]  }
0x202: {  	v4 =	vld [tilespmem:s2+$0x14260]  }
0x203: {  	[tilespmem:s2+$0x8270] =	vst.add.f32.msk $0xffff, v3  }
0x204: {  	v3 =	vld [tilespmem:s2+$0x14250]  }
0x205: {  	[tilespmem:s2+$0x8200] =	vst.add.f32.msk $0xffff, v6  }
0x206: {  	[tilespmem:s2+$0x8210] =	vst.add.f32.msk $0xffff, v7  }
0x207: {  	s8 =	simm.s32 $0x10;
	[tilespmem:s2+$0x8220] =	vst.add.f32.msk $0xffff, v8  }
0x208: {  	s9 =	simm.s32 $0x400;
	s18 =	simm.s32 $0x80;
	s20 =	simm.s32 $0x0;
	[tilespmem:s2+$0x8230] =	vst.add.f32.msk $0xffff, v9  }
.LBB2_19:
0x209: {  	s3 =	sand.u32 $0x2000, s18;
	s16 =	sand.u32 $0x1C00, s9;
	s20 =	sadd.s32 $0x8, s20;
	[tilespmem:s2+$0x8240] =	vst.add.f32.msk $0xffff, v5  }
0x20a: {  	s3 =	sor.u32 s16, s3;
	s16 =	sand.u32 $0x380, s8;
	p0 =	slt.u32 s20, $0x3F8;
	[tilespmem:s2+$0x8250] =	vst.add.f32.msk $0xffff, v3  }
0x20b: {  	[tilespmem:s2+$0x8260] =	vst.add.f32.msk $0xffff, v4;
	s2 =	sor.u32 s16, s3  }
0x20c: {  	v3 =	vld [tilespmem:s2+$0x14270]  }
0x20d: {  	v6 =	vld [tilespmem:s2+$0x14200]  }
0x20e: {  	v7 =	vld [tilespmem:s2+$0x14210]  }
0x20f: {  	v8 =	vld [tilespmem:s2+$0x14220]  }
0x210: {  	v9 =	vld [tilespmem:s2+$0x14230]  }
0x211: {  	[tilespmem:s2+$0x8270] =	vst.add.f32.msk $0xffff, v3  }
0x212: {  	v5 =	vld [tilespmem:s2+$0x14240]  }
0x213: {  	v3 =	vld [tilespmem:s2+$0x14250]  }
.Ltmp8:
0x214: {  	v4 =	vld [tilespmem:s2+$0x14260];
	(pc) =	sbr.rel @p0 .LBB2_19-.Ltmp8, $4  }
0x215: {  	[tilespmem:s2+$0x8200] =	vst.add.f32.msk $0xffff, v6  }
0x216: {  	[tilespmem:s2+$0x8210] =	vst.add.f32.msk $0xffff, v7  }
0x217: {  	[tilespmem:s2+$0x8220] =	vst.add.f32.msk $0xffff, v8  }
0x218: {  	s9 =	sadd.s32 $0x400, s9;
	s18 =	sadd.s32 $0x80, s18;
	s8 =	sadd.s32 $0x10, s8;
	[tilespmem:s2+$0x8230] =	vst.add.f32.msk $0xffff, v9  }
0x219: {  	s25 =	sadd.s32 $0x1, s25  }
0x21a: {  	p0 =	sne.s32 s25, $0x4  }
.Ltmp9:
0x21b: {  	_ = 	snop;
	(pc) =	sbr.rel @p0 .LBB2_2-.Ltmp9, $4  }
0x21c: {  	[tilespmem:s2+$0x8240] =	vst.add.f32.msk $0xffff, v5  }
0x21d: {  	[tilespmem:s2+$0x8250] =	vst.add.f32.msk $0xffff, v3  }
0x21e: {  	[tilespmem:s2+$0x8260] =	vst.add.f32.msk $0xffff, v4;
	s31 =	sadd.s32 s26, s15  }
0x21f: {  	[hbm4b:s31+s5] =	stream.linear.scatter [tilespmem:s13], [sflag:$0x7], $0x4000, $0x38;
	[tilespmem:$0x18200] =	vst v63  }
0x220: {  	s2 =	simm.s32 $0x0  }
0x221: {  	_ =	swait.ge [sflag:s7], $0x4000;
	s3 =	sand.u32 $0x2000, s2;
	s8 =	sand.u32 $0x1C00, s2  }
0x222: {  	[sflag:s7] =	ssyncset.done $0x0;
	s2 =	sand.u32 $0x380, s2;
	s3 =	sor.u32 s8, s3  }
0x223: {  	[sflag:s7] =	ssyncadd.s32 $0xFFFFC000;
	s2 =	sor.u32 s2, s3  }
0x224: {  	v3 =	vld [tilespmem:s2+$0x14270]  }
0x225: {  	v6 =	vld [tilespmem:s2+$0x14200]  }
0x226: {  	v7 =	vld [tilespmem:s2+$0x14210]  }
0x227: {  	v8 =	vld [tilespmem:s2+$0x14220]  }
0x228: {  	v9 =	vld [tilespmem:s2+$0x14230]  }
0x229: {  	v5 =	vld [tilespmem:s2+$0x14240]  }
0x22a: {  	v4 =	vld [tilespmem:s2+$0x14260]  }
0x22b: {  	[tilespmem:s2+$0xC270] =	vst.add.f32.msk $0xffff, v3  }
0x22c: {  	v3 =	vld [tilespmem:s2+$0x14250]  }
0x22d: {  	[tilespmem:s2+$0xC200] =	vst.add.f32.msk $0xffff, v6  }
0x22e: {  	[tilespmem:s2+$0xC210] =	vst.add.f32.msk $0xffff, v7  }
0x22f: {  	s20 =	simm.s32 $0x0;
	[tilespmem:s2+$0xC220] =	vst.add.f32.msk $0xffff, v8  }
0x230: {  	s9 =	simm.s32 $0x400;
	s18 =	simm.s32 $0x80;
	s8 =	simm.s32 $0x10;
	[tilespmem:s2+$0xC230] =	vst.add.f32.msk $0xffff, v9  }
.LBB2_22:
0x231: {  	s3 =	sand.u32 $0x2000, s18;
	s16 =	sand.u32 $0x1C00, s9;
	s20 =	sadd.s32 $0x8, s20;
	[tilespmem:s2+$0xC240] =	vst.add.f32.msk $0xffff, v5  }
0x232: {  	s3 =	sor.u32 s16, s3;
	s16 =	sand.u32 $0x380, s8;
	p0 =	slt.u32 s20, $0x3F8;
	[tilespmem:s2+$0xC250] =	vst.add.f32.msk $0xffff, v3  }
0x233: {  	[tilespmem:s2+$0xC260] =	vst.add.f32.msk $0xffff, v4;
	s2 =	sor.u32 s16, s3  }
0x234: {  	v3 =	vld [tilespmem:s2+$0x14270]  }
0x235: {  	v6 =	vld [tilespmem:s2+$0x14200]  }
0x236: {  	v7 =	vld [tilespmem:s2+$0x14210]  }
0x237: {  	v8 =	vld [tilespmem:s2+$0x14220]  }
0x238: {  	v9 =	vld [tilespmem:s2+$0x14230]  }
0x239: {  	[tilespmem:s2+$0xC270] =	vst.add.f32.msk $0xffff, v3  }
0x23a: {  	v5 =	vld [tilespmem:s2+$0x14240]  }
0x23b: {  	v3 =	vld [tilespmem:s2+$0x14250]  }
.Ltmp10:
0x23c: {  	v4 =	vld [tilespmem:s2+$0x14260];
	(pc) =	sbr.rel @p0 .LBB2_22-.Ltmp10, $4  }
0x23d: {  	[tilespmem:s2+$0xC200] =	vst.add.f32.msk $0xffff, v6  }
0x23e: {  	[tilespmem:s2+$0xC210] =	vst.add.f32.msk $0xffff, v7  }
0x23f: {  	[tilespmem:s2+$0xC220] =	vst.add.f32.msk $0xffff, v8  }
0x240: {  	s9 =	sadd.s32 $0x400, s9;
	s18 =	sadd.s32 $0x80, s18;
	s8 =	sadd.s32 $0x10, s8;
	[tilespmem:s2+$0xC230] =	vst.add.f32.msk $0xffff, v9  }
0x241: {  	[tilespmem:s2+$0xC240] =	vst.add.f32.msk $0xffff, v5  }
0x242: {  	[tilespmem:s2+$0xC250] =	vst.add.f32.msk $0xffff, v3  }
0x243: {  	[tilespmem:s2+$0xC260] =	vst.add.f32.msk $0xffff, v4  }
0x244: {  	s2 =	rddreg [dreg:$0xc]  }
0x245: {  	[hbm4b:s2+s5] =	stream.linear.scatter [tilespmem:s29], [sflag:$0x8], $0x4000, $0x38;
	[tilespmem:$0x18200] =	vst v63  }
0x246: {  	_ =	swait.ge [sflag:s22], $0x4000  }
0x247: {  	[sflag:s22] =	ssyncset.done $0x0  }
0x248: {  	[sflag:s22] =	ssyncadd.s32 $0xFFFFC000  }
0x249: {  	_ =	swait.ge [sflag:s14], $0x4000  }
0x24a: {  	[sflag:s14] =	ssyncset.done $0x0  }
0x24b: {  	[sflag:s14] =	ssyncadd.s32 $0xFFFFC000  }
0x24c: {  	_ =	swait.ge [sflag:s17], $0x4000  }
0x24d: {  	[sflag:s17] =	ssyncset.done $0x0  }
0x24e: {  	[sflag:s17] =	ssyncadd.s32 $0xFFFFC000  }
0x24f: {  	_ =	swait.ge [sflag:s24], $0x4000  }
0x250: {  	s3 =	rddreg [dreg:$0xe]  }
0x251: {  	s31 =	rddreg [dreg:$0xd];
	s3 =	sadd.s32 $0x1, s3  }
0x252: {  	p0 =	sne.s32 s3, s31  }
.Ltmp11:
0x253: {  	_ = 	snop;
	(pc) =	sbr.rel @p0 .LBB2_1-.Ltmp11, $3  }
0x254: {  	_ =	sdelay $0x1  }
0x255: {  	[sflag:s24] =	ssyncset.done $0x0  }
0x256: {  	[sflag:s24] =	ssyncadd.s32 $0xFFFFC000  }
0x257: {  	_ =	sfence.sel $0x180000  }
0x258: {  	[bflag:$0x0] =	sbarrier.arrive $0xFFFF  }
0x259: {  	_ =	strace $0x90000047  }
0x25a: {  	s0 =	stileid.u32;
	[bflag:$0x2] =	sbarrier.arrive $0xFFFF  }
0x25b: {  	p0 =	sne.s32 s0, $0x0;
	s0 =	rddreg [dreg:$0x4]  }
0x25c: {  	s0 =	sadd.s32 @!p0 $0x100000, s0  }
0x25d: {  	[sflag:s0] =	ssyncadd.tile.s32 @!p0 $0x1;
	_ =	shalt  }
.Lfunc_end2:
_tile_overlayer_lowered:
.L_overlay_start_2:
0x25e: {  	(tag) =	ssettag $0x2  }
0x25f: {  	s0 =	rddreg [dreg:$0x0];
	s2 =	stileid.u32  }
0x260: {  	s1 =	rddreg [dreg:$0x1];
	p0 =	sne.s32 s2, $0x0  }
0x261: {  	s3 =	rddreg [dreg:$0x2];
	[bflag:$0x3] =	sbarrier.arrive $0xFFFF;
	s2 =	simm.s32 @!p0 $0x1C0C  }
0x262: {  	[timem:s3], [sflag:s2] =	dma.local @!p0 [hbm:s0], s1  }
0x263: {  	s0 =	simm.s32 @!p0 $0xC  }
0x264: {  	_ =	swait.ge @!p0 [sflag:s0], s1  }
0x265: {  	s1 =	ssub.s32 @!p0 $0x0, s1;
	[sflag:s0] =	ssyncset.done @!p0 $0x0  }
0x266: {  	[sflag:s0] =	ssyncadd.s32 @!p0 s1  }
0x267: {  	[bflag:$0x3] =	sbarrier.arrive $0xFFFF  }
0x268: {  	_ =	shalt  }

</sc_bundles>
